<compile_context>
chip_gen: v7x
topology: tpu7x:2x2x1
jax: 0.10.2.dev20260603
libtpu: 0.0.44.dev20260713+nightly
codegen_flags: <defaults>
</compile_context>

<pallas_src>
import functools

import jax
import jax.numpy as jnp
from jax import lax
from jax.experimental import pallas as pl
from jax.experimental.pallas import tpu as pltpu
from jax.experimental.pallas import tpu_sc as plsc

N = 10000
NP = 10240
NPD = NP * 4
E = 320000
H = 128
NH = 4
HD = H // NH
TEMP = float(H) ** -0.5

_BE = 2000
_C = 128
_NCHUNK = E // _C
_CPC = _NCHUNK // 2
_NT = 16
_RPT = NP // _NT
_DPT = NPD // _NT


def _edge_body(k_ref, q_ref, v_ref, u_ref, ex_ref):
    kq = k_ref[...] * q_ref[...]
    di = lax.broadcasted_iota(jnp.int32, (H, NH), 0) // HD
    hi = lax.broadcasted_iota(jnp.int32, (H, NH), 1)
    sel = jnp.where(di == hi, 1.0, 0.0).astype(jnp.float32)
    s = lax.dot_general(kq, sel, (((1,), (0,)), ((), ())),
                        precision=lax.Precision.DEFAULT,
                        preferred_element_type=jnp.float32) * TEMP
    s = jnp.where(s >= 0.0, s, 0.2 * s)
    e4 = jnp.exp(s)
    eb = lax.dot_general(e4, sel.T, (((1,), (0,)), ((), ())),
                         precision=lax.Precision.DEFAULT,
                         preferred_element_type=jnp.float32)
    u_ref[...] = eb * v_ref[...]
    ex_ref[...] = e4


def _edge_phase(keys, queries, values):
    bs = pl.BlockSpec((_BE, H), lambda i: (i, 0))
    return pl.pallas_call(
        _edge_body,
        grid=(E // _BE,),
        in_specs=[bs, bs, bs],
        out_specs=[bs, pl.BlockSpec((_BE, NH), lambda i: (i, 0))],
        out_shape=[
            jax.ShapeDtypeStruct((E, H), jnp.float32),
            jax.ShapeDtypeStruct((E, NH), jnp.float32),
        ],
    )(keys, queries, values)


def _scatter_phase(u, ex3, idx3, dst, zu, zd):
    mesh = plsc.VectorSubcoreMesh(core_axis_name="c", subcore_axis_name="s")

    @functools.partial(
        pl.kernel,
        out_type=[
            jax.ShapeDtypeStruct((2, NP, H), jnp.float32),
            jax.ShapeDtypeStruct((2, NPD), jnp.float32),
        ],
        mesh=mesh,
        scratch_types=[
            pltpu.VMEM((_C, H), jnp.float32),
            pltpu.VMEM((NH, 128), jnp.float32),
            pltpu.VMEM((NH, 128), jnp.int32),
            pltpu.VMEM((_C,), jnp.int32),
            pltpu.VMEM_SHARED((NP, H), jnp.float32),
            pltpu.VMEM_SHARED((NPD,), jnp.float32),
            pltpu.SemaphoreType.DMA,
        ],
    )
    def run(u_hbm, ex_hbm, ix_hbm, dst_hbm, zu_hbm, zd_hbm, acc_out, den_out,
            u_buf, ex_buf, ix_buf, idx_buf, acc_sh, den_sh, sem):
        cid = lax.axis_index("c")
        sid = lax.axis_index("s")
        rows = pl.ds(sid * _RPT, _RPT)
        drows = pl.ds(sid * _DPT, _DPT)
        pltpu.sync_copy(zu_hbm.at[rows], acc_sh.at[rows])
        pltpu.sync_copy(zd_hbm.at[drows], den_sh.at[drows])
        plsc.subcore_barrier()

        nit = (_CPC - sid + _NT - 1) // _NT

        def step(i, carry):
            c = cid * _CPC + sid + i * _NT
            pltpu.sync_copy(u_hbm.at[pl.ds(c * _C, _C)], u_buf)
            pltpu.sync_copy(dst_hbm.at[pl.ds(c * _C, _C)], idx_buf)
            pltpu.sync_copy(ex_hbm.at[c], ex_buf)
            pltpu.sync_copy(ix_hbm.at[c], ix_buf)
            pltpu.async_copy(u_buf, acc_sh.at[idx_buf], sem, add=True).wait()
            for j in range(NH):
                pltpu.async_copy(ex_buf.at[j], den_sh.at[ix_buf.at[j]],
                                 sem, add=True).wait()
            return carry

        lax.fori_loop(0, nit, step, 0)
        plsc.subcore_barrier()
        pltpu.sync_copy(acc_sh.at[rows], acc_out.at[cid, rows])
        pltpu.sync_copy(den_sh.at[drows], den_out.at[cid, drows])

    return run(u, ex3, idx3, dst, zu, zd)


def _div_body(a_ref, d_ref, o_ref):
    a = a_ref[0] + a_ref[1]
    d = d_ref[0] + d_ref[1]
    outs = []
    for h in range(NH):
        dh = d[:, h:h + 1]
        dh = jnp.where(dh > 0.0, dh, 1.0)
        outs.append(a[:, h * HD:(h + 1) * HD] / dh)
    o_ref[...] = jnp.concatenate(outs, axis=1)


def _divide(acc2, den2):
    bn = 2048
    return pl.pallas_call(
        _div_body,
        grid=(NP // bn,),
        in_specs=[
            pl.BlockSpec((2, bn, H), lambda i: (0, i, 0)),
            pl.BlockSpec((2, bn, NH), lambda i: (0, i, 0)),
        ],
        out_specs=pl.BlockSpec((bn, H), lambda i: (i, 0)),
        out_shape=jax.ShapeDtypeStruct((NP, H), jnp.float32),
    )(acc2, den2)


def kernel(edge_index, keys, queries, values):
    u, ex = _edge_phase(keys, queries, values)
    dst = edge_index[1]
    ex3 = ex.reshape(_NCHUNK, NH, 128)
    idx4 = dst[:, None] * NH + jnp.arange(NH, dtype=jnp.int32)[None, :]
    idx3 = idx4.reshape(_NCHUNK, NH, 128)
    zu = jnp.zeros((NP, H), jnp.float32)
    zd = jnp.zeros((NPD,), jnp.float32)
    acc2, den2 = _scatter_phase(u, ex3, idx3, dst, zu, zd)
    return _divide(acc2, den2.reshape(2, NP, NH))[:N]

# --- scband reference (transcript-rebuilt; emitter-appended) ---
"""Pipeline reference for scband-graph-attention-18167711662488 (READ-ONLY COPY).

The authoritative reference and input builder live on the scoring server;
editing this copy changes nothing except your own understanding.
"""

import jax, jax.numpy as jnp
import numpy as np

N_NODES = 10000
N_EDGES = 320000
HIDDEN = 128
NHEADS = 4
HEAD_DIM = HIDDEN // NHEADS
TEMP = HIDDEN ** (-0.5)


def setup_inputs(seed: int = 0) -> dict:
    key = jax.random.key(seed)
    k1, k2, k3, k4 = jax.random.split(key, 4)
    edge_index = jax.random.randint(k1, (2, N_EDGES), 0, N_NODES, dtype=jnp.int32)
    keys_t = jax.random.normal(k2, (N_EDGES, HIDDEN), dtype=jnp.float32)
    queries_t = jax.random.normal(k3, (N_EDGES, HIDDEN), dtype=jnp.float32)
    values_t = jax.random.normal(k4, (N_EDGES, HIDDEN), dtype=jnp.float32)
    return {"edge_index": edge_index, "keys": keys_t, "queries": queries_t, "values": values_t}


def _leaky_relu(x, slope=0.2):
    return jnp.where(x >= 0, x, slope * x)


def reference(edge_index, keys, queries, values):
    E = keys.shape[0]
    k = keys.reshape(E, NHEADS, HEAD_DIM)
    q = queries.reshape(E, NHEADS, HEAD_DIM)
    v = values.reshape(E, NHEADS, HEAD_DIM)
    # per-edge, per-head attention logits
    scores = jnp.sum(k * q, axis=-1) * TEMP  # [E, H]
    scores = _leaky_relu(scores, 0.2)
    dst = edge_index[1]
    # dgl.ops.edge_softmax: softmax over incoming edges of each dst node
    smax = jax.ops.segment_max(scores, dst, num_segments=N_NODES)  # [N, H]
    smax = jnp.where(jnp.isfinite(smax), smax, 0.0)  # guard empty segments
    ex = jnp.exp(scores - smax[dst])
    denom = jax.ops.segment_sum(ex, dst, num_segments=N_NODES)  # [N, H]
    weights = ex / denom[dst]  # [E, H]
    # dropout p=0.0 -> identity; mask/bias are None
    weighted = weights[..., None] * v  # [E, H, Dh]
    # dgl.ops.copy_e_sum: sum edge values into dst nodes
    out = jax.ops.segment_sum(weighted, dst, num_segments=N_NODES)  # [N, H, Dh]
    return out.reshape(N_NODES, HIDDEN)

if __name__ == "__main__":
    import jax
    _d = setup_inputs()
    print(jax.jit(kernel)(*tuple(_d.values())))

</pallas_src>

<mosaic_0001>
#map = affine_map<(d0, d1) -> (0, 0)>
#map1 = affine_map<(d0, d1) -> (0, 0, 0)>
#map2 = affine_map<(d0, d1) -> (0)>
module attributes {stable_mosaic.version = 14 : i64} {
  func.func @run(%arg0: i32, %arg1: i32, %arg2: memref<320000x128xf32, #tpu.memory_space<hbm>>, %arg3: memref<2500x4x128xf32, #tpu.memory_space<hbm>>, %arg4: memref<2500x4x128xi32, #tpu.memory_space<hbm>>, %arg5: memref<320000xi32, #tpu.memory_space<hbm>>, %arg6: memref<10240x128xf32, #tpu.memory_space<hbm>>, %arg7: memref<40960xf32, #tpu.memory_space<hbm>>, %arg8: memref<2x10240x128xf32, #tpu.memory_space<hbm>>, %arg9: memref<2x40960xf32, #tpu.memory_space<hbm>>, %arg10: memref<128x128xf32, #tpu.memory_space<vmem>>, %arg11: memref<4x128xf32, #tpu.memory_space<vmem>>, %arg12: memref<4x128xi32, #tpu.memory_space<vmem>>, %arg13: memref<128xi32, #tpu.memory_space<vmem>>, %arg14: memref<10240x128xf32, #tpu.memory_space<vmem_shared>>, %arg15: memref<40960xf32, #tpu.memory_space<vmem_shared>>, %arg16: memref<!tpu.dma_semaphore, #tpu.memory_space<semaphore_mem>>) attributes {dimension_semantics = [#tpu.dimension_semantics<core_parallel>, #tpu.dimension_semantics<subcore_parallel>], iteration_bounds = array<i64: 2, 16>, scalar_prefetch = 0 : i64, scratch_operands = 7 : i64, tpu.core_type = #tpu.core_type<sc_vector_subcore>, window_params = [{transform_indices = #map}, {transform_indices = #map1}, {transform_indices = #map1}, {transform_indices = #map2}, {transform_indices = #map}, {transform_indices = #map2}, {transform_indices = #map1}, {transform_indices = #map}]} {
    %mul3A = arith.constant 640 : i32
    %mul3A_0 = arith.muli %arg1, %mul3A : i32
    %mul3A_1 = arith.constant 2560 : i32
    %mul3A_2 = arith.muli %arg1, %mul3A_1 : i32
    "tpu.region"() ({
      %run_scoped3A = tpu.sem_alloc : memref<!tpu.dma_semaphore, #tpu.memory_space<semaphore_mem>>
      %dma_start3A = arith.constant 0 : i32
      %dma_start3A_34 = tpu.memref_slice %arg14[%mul3A_0, %dma_start3A] : memref<10240x128xf32, #tpu.memory_space<vmem_shared>> -> memref<640x128xf32, #tpu.memory_space<vmem_shared>>
      %dma_start3A_35 = arith.constant 0 : i32
      %dma_start3A_36 = tpu.memref_slice %arg6[%mul3A_0, %dma_start3A_35] : memref<10240x128xf32, #tpu.memory_space<hbm>> -> memref<640x128xf32, #tpu.memory_space<hbm>>
      tpu.enqueue_dma source(%dma_start3A_36 : memref<640x128xf32, #tpu.memory_space<hbm>>) target(%dma_start3A_34 : memref<640x128xf32, #tpu.memory_space<vmem_shared>>) target_semaphore(%run_scoped3A : memref<!tpu.dma_semaphore, #tpu.memory_space<semaphore_mem>>)
      %dma_wait3A = arith.constant 0 : i32
      %dma_wait3A_37 = tpu.memref_slice %arg14[%mul3A_0, %dma_wait3A] : memref<10240x128xf32, #tpu.memory_space<vmem_shared>> -> memref<640x128xf32, #tpu.memory_space<vmem_shared>>
      %dma_wait3A_38 = arith.constant 0 : i32
      %dma_wait3A_39 = tpu.memref_slice %arg6[%mul3A_0, %dma_wait3A_38] : memref<10240x128xf32, #tpu.memory_space<hbm>> -> memref<640x128xf32, #tpu.memory_space<hbm>>
      tpu.wait_dma2 semaphore(%run_scoped3A : memref<!tpu.dma_semaphore, #tpu.memory_space<semaphore_mem>>) src(%dma_wait3A_39 : memref<640x128xf32, #tpu.memory_space<hbm>>) dst(%dma_wait3A_37 : memref<640x128xf32, #tpu.memory_space<vmem_shared>>)
      tpu.yield
    }) : () -> ()
    "tpu.region"() ({
      %run_scoped3A = tpu.sem_alloc : memref<!tpu.dma_semaphore, #tpu.memory_space<semaphore_mem>>
      %dma_start3A = tpu.memref_slice %arg15[%mul3A_2] : memref<40960xf32, #tpu.memory_space<vmem_shared>> -> memref<2560xf32, #tpu.memory_space<vmem_shared>>
      %dma_start3A_34 = tpu.memref_slice %arg7[%mul3A_2] : memref<40960xf32, #tpu.memory_space<hbm>> -> memref<2560xf32, #tpu.memory_space<hbm>>
      tpu.enqueue_dma source(%dma_start3A_34 : memref<2560xf32, #tpu.memory_space<hbm>>) target(%dma_start3A : memref<2560xf32, #tpu.memory_space<vmem_shared>>) target_semaphore(%run_scoped3A : memref<!tpu.dma_semaphore, #tpu.memory_space<semaphore_mem>>)
      %dma_wait3A = tpu.memref_slice %arg15[%mul3A_2] : memref<40960xf32, #tpu.memory_space<vmem_shared>> -> memref<2560xf32, #tpu.memory_space<vmem_shared>>
      %dma_wait3A_35 = tpu.memref_slice %arg7[%mul3A_2] : memref<40960xf32, #tpu.memory_space<hbm>> -> memref<2560xf32, #tpu.memory_space<hbm>>
      tpu.wait_dma2 semaphore(%run_scoped3A : memref<!tpu.dma_semaphore, #tpu.memory_space<semaphore_mem>>) src(%dma_wait3A_35 : memref<2560xf32, #tpu.memory_space<hbm>>) dst(%dma_wait3A : memref<2560xf32, #tpu.memory_space<vmem_shared>>)
      tpu.yield
    }) : () -> ()
    %barrier3A = arith.constant 0 : index
    tpu.barrier barrier_id(%barrier3A)
    %sub3A = arith.constant 1250 : i32
    %sub3A_3 = arith.subi %sub3A, %arg1 : i32
    %add3A = arith.constant 16 : i32
    %add3A_4 = arith.addi %sub3A_3, %add3A : i32
    %sub3A_5 = arith.constant 1 : i32
    %sub3A_6 = arith.subi %add3A_4, %sub3A_5 : i32
    %jit3A = arith.constant 16 : i32
    %div3A = arith.divsi %sub3A_6, %jit3A : i32
    %sign3A = arith.constant 0 : i32
    %sign3A_7 = arith.cmpi sgt, %sub3A_6, %sign3A : i32
    %sign3A_8 = arith.extui %sign3A_7 : i1 to i32
    %sign3A_9 = arith.constant 0 : i32
    %sign3A_10 = arith.cmpi slt, %sub3A_6, %sign3A_9 : i32
    %sign3A_11 = arith.extui %sign3A_10 : i1 to i32
    %sign3A_12 = arith.subi %sign3A_8, %sign3A_11 : i32
    %sign3A_13 = arith.constant 0 : i32
    %sign3A_14 = arith.cmpi sgt, %jit3A, %sign3A_13 : i32
    %sign3A_15 = arith.extui %sign3A_14 : i1 to i32
    %sign3A_16 = arith.constant 0 : i32
    %sign3A_17 = arith.cmpi slt, %jit3A, %sign3A_16 : i32
    %sign3A_18 = arith.extui %sign3A_17 : i1 to i32
    %sign3A_19 = arith.subi %sign3A_15, %sign3A_18 : i32
    %ne3A = arith.cmpi ne, %sign3A_12, %sign3A_19 : i32
    %rem3A = arith.remsi %sub3A_6, %jit3A : i32
    %ne3A_20 = arith.constant 0 : i32
    %ne3A_21 = arith.cmpi ne, %rem3A, %ne3A_20 : i32
    %and3A = arith.andi %ne3A, %ne3A_21 : i1
    %sub3A_22 = arith.constant 1 : i32
    %sub3A_23 = arith.subi %div3A, %sub3A_22 : i32
    %select_n3A = arith.select %and3A, %sub3A_23, %div3A : i32
    %while3A = arith.constant 0 : i32
    %while3A_24 = arith.constant 0 : i32
    %while3A_25 = arith.subi %select_n3A, %while3A_24 : i32
    %while3A_26 = arith.addi %while3A_24, %while3A_25 : i32
    %while3A_27 = arith.constant 1 : i32
    %while3A_28 = arith.divsi %while3A_25, %while3A_27 : i32
    %while3A_29 = arith.muli %while3A_28, %while3A_27 : i32
    %while3A_30 = arith.addi %while3A_24, %while3A_29 : i32
    %while3A_31 = arith.constant 1 : i32
    scf.for %while3A_34 = %while3A_24 to %while3A_30 step %while3A_31  : i32 {
      %mul3A_35 = arith.constant 1250 : i32
      %mul3A_36 = arith.muli %arg0, %mul3A_35 : i32
      %add3A_37 = arith.addi %mul3A_36, %arg1 : i32
      %mul3A_38 = arith.constant 16 : i32
      %mul3A_39 = arith.muli %while3A_34, %mul3A_38 : i32
      %add3A_40 = arith.addi %add3A_37, %mul3A_39 : i32
      %mul3A_41 = arith.constant 128 : i32
      %mul3A_42 = arith.muli %add3A_40, %mul3A_41 : i32
      "tpu.region"() ({
        %run_scoped3A = tpu.sem_alloc : memref<!tpu.dma_semaphore, #tpu.memory_space<semaphore_mem>>
        %dma_start3A_129 = arith.constant 0 : i32
        %dma_start3A_130 = tpu.memref_slice %arg2[%mul3A_42, %dma_start3A_129] : memref<320000x128xf32, #tpu.memory_space<hbm>> -> memref<128x128xf32, #tpu.memory_space<hbm>>
        %dma_start3A_131 = arith.constant 0 : i32
        %dma_start3A_132 = tpu.memref_slice %arg2[%mul3A_42, %dma_start3A_131] : memref<320000x128xf32, #tpu.memory_space<hbm>> -> memref<128x128xf32, #tpu.memory_space<hbm>>
        tpu.enqueue_dma source(%dma_start3A_132 : memref<128x128xf32, #tpu.memory_space<hbm>>) target(%arg10 : memref<128x128xf32, #tpu.memory_space<vmem>>) target_semaphore(%run_scoped3A : memref<!tpu.dma_semaphore, #tpu.memory_space<semaphore_mem>>)
        %dma_wait3A_133 = arith.constant 0 : i32
        %dma_wait3A_134 = tpu.memref_slice %arg2[%mul3A_42, %dma_wait3A_133] : memref<320000x128xf32, #tpu.memory_space<hbm>> -> memref<128x128xf32, #tpu.memory_space<hbm>>
        %dma_wait3A_135 = arith.constant 0 : i32
        %dma_wait3A_136 = tpu.memref_slice %arg2[%mul3A_42, %dma_wait3A_135] : memref<320000x128xf32, #tpu.memory_space<hbm>> -> memref<128x128xf32, #tpu.memory_space<hbm>>
        tpu.wait_dma2 semaphore(%run_scoped3A : memref<!tpu.dma_semaphore, #tpu.memory_space<semaphore_mem>>) src(%dma_wait3A_136 : memref<128x128xf32, #tpu.memory_space<hbm>>) dst(%arg10 : memref<128x128xf32, #tpu.memory_space<vmem>>)
        tpu.yield
      }) : () -> ()
      %mul3A_43 = arith.constant 128 : i32
      %mul3A_44 = arith.muli %add3A_40, %mul3A_43 : i32
      "tpu.region"() ({
        %run_scoped3A = tpu.sem_alloc : memref<!tpu.dma_semaphore, #tpu.memory_space<semaphore_mem>>
        %dma_start3A_129 = tpu.memref_slice %arg5[%mul3A_44] : memref<320000xi32, #tpu.memory_space<hbm>> -> memref<128xi32, #tpu.memory_space<hbm>>
        %dma_start3A_130 = tpu.memref_slice %arg5[%mul3A_44] : memref<320000xi32, #tpu.memory_space<hbm>> -> memref<128xi32, #tpu.memory_space<hbm>>
        tpu.enqueue_dma source(%dma_start3A_130 : memref<128xi32, #tpu.memory_space<hbm>>) target(%arg13 : memref<128xi32, #tpu.memory_space<vmem>>) target_semaphore(%run_scoped3A : memref<!tpu.dma_semaphore, #tpu.memory_space<semaphore_mem>>)
        %dma_wait3A_131 = tpu.memref_slice %arg5[%mul3A_44] : memref<320000xi32, #tpu.memory_space<hbm>> -> memref<128xi32, #tpu.memory_space<hbm>>
        %dma_wait3A_132 = tpu.memref_slice %arg5[%mul3A_44] : memref<320000xi32, #tpu.memory_space<hbm>> -> memref<128xi32, #tpu.memory_space<hbm>>
        tpu.wait_dma2 semaphore(%run_scoped3A : memref<!tpu.dma_semaphore, #tpu.memory_space<semaphore_mem>>) src(%dma_wait3A_132 : memref<128xi32, #tpu.memory_space<hbm>>) dst(%arg13 : memref<128xi32, #tpu.memory_space<vmem>>)
        tpu.yield
      }) : () -> ()
      "tpu.region"() ({
        %run_scoped3A = tpu.sem_alloc : memref<!tpu.dma_semaphore, #tpu.memory_space<semaphore_mem>>
        %dma_start3A_129 = arith.constant 0 : i32
        %dma_start3A_130 = arith.constant 0 : i32
        %dma_start3A_131 = tpu.memref_slice %arg3[%add3A_40, %dma_start3A_129, %dma_start3A_130] : memref<2500x4x128xf32, #tpu.memory_space<hbm>> -> memref<1x4x128xf32, #tpu.memory_space<hbm>>
        %dma_start3A_132 = tpu.memref_squeeze %dma_start3A_131 : memref<1x4x128xf32, #tpu.memory_space<hbm>> -> memref<4x128xf32, #tpu.memory_space<hbm>>
        %dma_start3A_133 = arith.constant 0 : i32
        %dma_start3A_134 = arith.constant 0 : i32
        %dma_start3A_135 = tpu.memref_slice %arg3[%add3A_40, %dma_start3A_133, %dma_start3A_134] : memref<2500x4x128xf32, #tpu.memory_space<hbm>> -> memref<1x4x128xf32, #tpu.memory_space<hbm>>
        %dma_start3A_136 = tpu.memref_squeeze %dma_start3A_135 : memref<1x4x128xf32, #tpu.memory_space<hbm>> -> memref<4x128xf32, #tpu.memory_space<hbm>>
        tpu.enqueue_dma source(%dma_start3A_136 : memref<4x128xf32, #tpu.memory_space<hbm>>) target(%arg11 : memref<4x128xf32, #tpu.memory_space<vmem>>) target_semaphore(%run_scoped3A : memref<!tpu.dma_semaphore, #tpu.memory_space<semaphore_mem>>)
        %dma_wait3A_137 = arith.constant 0 : i32
        %dma_wait3A_138 = arith.constant 0 : i32
        %dma_wait3A_139 = tpu.memref_slice %arg3[%add3A_40, %dma_wait3A_137, %dma_wait3A_138] : memref<2500x4x128xf32, #tpu.memory_space<hbm>> -> memref<1x4x128xf32, #tpu.memory_space<hbm>>
        %dma_wait3A_140 = tpu.memref_squeeze %dma_wait3A_139 : memref<1x4x128xf32, #tpu.memory_space<hbm>> -> memref<4x128xf32, #tpu.memory_space<hbm>>
        %dma_wait3A_141 = arith.constant 0 : i32
        %dma_wait3A_142 = arith.constant 0 : i32
        %dma_wait3A_143 = tpu.memref_slice %arg3[%add3A_40, %dma_wait3A_141, %dma_wait3A_142] : memref<2500x4x128xf32, #tpu.memory_space<hbm>> -> memref<1x4x128xf32, #tpu.memory_space<hbm>>
        %dma_wait3A_144 = tpu.memref_squeeze %dma_wait3A_143 : memref<1x4x128xf32, #tpu.memory_space<hbm>> -> memref<4x128xf32, #tpu.memory_space<hbm>>
        tpu.wait_dma2 semaphore(%run_scoped3A : memref<!tpu.dma_semaphore, #tpu.memory_space<semaphore_mem>>) src(%dma_wait3A_144 : memref<4x128xf32, #tpu.memory_space<hbm>>) dst(%arg11 : memref<4x128xf32, #tpu.memory_space<vmem>>)
        tpu.yield
      }) : () -> ()
      "tpu.region"() ({
        %run_scoped3A = tpu.sem_alloc : memref<!tpu.dma_semaphore, #tpu.memory_space<semaphore_mem>>
        %dma_start3A_129 = arith.constant 0 : i32
        %dma_start3A_130 = arith.constant 0 : i32
        %dma_start3A_131 = tpu.memref_slice %arg4[%add3A_40, %dma_start3A_129, %dma_start3A_130] : memref<2500x4x128xi32, #tpu.memory_space<hbm>> -> memref<1x4x128xi32, #tpu.memory_space<hbm>>
        %dma_start3A_132 = tpu.memref_squeeze %dma_start3A_131 : memref<1x4x128xi32, #tpu.memory_space<hbm>> -> memref<4x128xi32, #tpu.memory_space<hbm>>
        %dma_start3A_133 = arith.constant 0 : i32
        %dma_start3A_134 = arith.constant 0 : i32
        %dma_start3A_135 = tpu.memref_slice %arg4[%add3A_40, %dma_start3A_133, %dma_start3A_134] : memref<2500x4x128xi32, #tpu.memory_space<hbm>> -> memref<1x4x128xi32, #tpu.memory_space<hbm>>
        %dma_start3A_136 = tpu.memref_squeeze %dma_start3A_135 : memref<1x4x128xi32, #tpu.memory_space<hbm>> -> memref<4x128xi32, #tpu.memory_space<hbm>>
        tpu.enqueue_dma source(%dma_start3A_136 : memref<4x128xi32, #tpu.memory_space<hbm>>) target(%arg12 : memref<4x128xi32, #tpu.memory_space<vmem>>) target_semaphore(%run_scoped3A : memref<!tpu.dma_semaphore, #tpu.memory_space<semaphore_mem>>)
        %dma_wait3A_137 = arith.constant 0 : i32
        %dma_wait3A_138 = arith.constant 0 : i32
        %dma_wait3A_139 = tpu.memref_slice %arg4[%add3A_40, %dma_wait3A_137, %dma_wait3A_138] : memref<2500x4x128xi32, #tpu.memory_space<hbm>> -> memref<1x4x128xi32, #tpu.memory_space<hbm>>
        %dma_wait3A_140 = tpu.memref_squeeze %dma_wait3A_139 : memref<1x4x128xi32, #tpu.memory_space<hbm>> -> memref<4x128xi32, #tpu.memory_space<hbm>>
        %dma_wait3A_141 = arith.constant 0 : i32
        %dma_wait3A_142 = arith.constant 0 : i32
        %dma_wait3A_143 = tpu.memref_slice %arg4[%add3A_40, %dma_wait3A_141, %dma_wait3A_142] : memref<2500x4x128xi32, #tpu.memory_space<hbm>> -> memref<1x4x128xi32, #tpu.memory_space<hbm>>
        %dma_wait3A_144 = tpu.memref_squeeze %dma_wait3A_143 : memref<1x4x128xi32, #tpu.memory_space<hbm>> -> memref<4x128xi32, #tpu.memory_space<hbm>>
        tpu.wait_dma2 semaphore(%run_scoped3A : memref<!tpu.dma_semaphore, #tpu.memory_space<semaphore_mem>>) src(%dma_wait3A_144 : memref<4x128xi32, #tpu.memory_space<hbm>>) dst(%arg12 : memref<4x128xi32, #tpu.memory_space<vmem>>)
        tpu.yield
      }) : () -> ()
      %dma_start3A = arith.constant 0 : i32
      %dma_start3A_45 = arith.constant 0 : i32
      %dma_start3A_46 = tpu.memref_slice %arg14[%dma_start3A, %dma_start3A_45] : memref<10240x128xf32, #tpu.memory_space<vmem_shared>> -> memref<10240x128xf32, #tpu.memory_space<vmem_shared>>
      tpu.enqueue_indirect_dma source(%arg10 : memref<128x128xf32, #tpu.memory_space<vmem>>) target(%dma_start3A_46 : memref<10240x128xf32, #tpu.memory_space<vmem_shared>>) offsets(%arg13 : memref<128xi32, #tpu.memory_space<vmem>>) semaphore(%arg16 : memref<!tpu.dma_semaphore, #tpu.memory_space<semaphore_mem>>) {add = true}
      %dma_wait3A = arith.constant 0 : i32
      %dma_wait3A_47 = arith.constant 0 : i32
      %dma_wait3A_48 = tpu.memref_slice %arg14[%dma_wait3A, %dma_wait3A_47] : memref<10240x128xf32, #tpu.memory_space<vmem_shared>> -> memref<10240x128xf32, #tpu.memory_space<vmem_shared>>
      tpu.wait_indirect_dma semaphore(%arg16 : memref<!tpu.dma_semaphore, #tpu.memory_space<semaphore_mem>>) src(%arg10 : memref<128x128xf32, #tpu.memory_space<vmem>>) dst(%dma_wait3A_48 : memref<10240x128xf32, #tpu.memory_space<vmem_shared>>)
      %dma_start3A_49 = arith.constant 0 : i32
      %dma_start3A_50 = arith.constant 0 : i32
      %dma_start3A_51 = arith.constant 0 : i32
      %dma_start3A_52 = tpu.memref_slice %arg11[%dma_start3A_49, %dma_start3A_51] : memref<4x128xf32, #tpu.memory_space<vmem>> -> memref<1x128xf32, #tpu.memory_space<vmem>>
      %dma_start3A_53 = tpu.memref_squeeze %dma_start3A_52 : memref<1x128xf32, #tpu.memory_space<vmem>> -> memref<128xf32, #tpu.memory_space<vmem>>
      %dma_start3A_54 = arith.constant 0 : i32
      %dma_start3A_55 = tpu.memref_slice %arg12[%dma_start3A_50, %dma_start3A_54] : memref<4x128xi32, #tpu.memory_space<vmem>> -> memref<1x128xi32, #tpu.memory_space<vmem>>
      %dma_start3A_56 = tpu.memref_squeeze %dma_start3A_55 : memref<1x128xi32, #tpu.memory_space<vmem>> -> memref<128xi32, #tpu.memory_space<vmem>>
      %dma_start3A_57 = arith.constant 0 : i32
      %dma_start3A_58 = tpu.memref_slice %arg15[%dma_start3A_57] : memref<40960xf32, #tpu.memory_space<vmem_shared>> -> memref<40960xf32, #tpu.memory_space<vmem_shared>>
      tpu.enqueue_indirect_dma source(%dma_start3A_53 : memref<128xf32, #tpu.memory_space<vmem>>) target(%dma_start3A_58 : memref<40960xf32, #tpu.memory_space<vmem_shared>>) offsets(%dma_start3A_56 : memref<128xi32, #tpu.memory_space<vmem>>) semaphore(%arg16 : memref<!tpu.dma_semaphore, #tpu.memory_space<semaphore_mem>>) {add = true}
      %dma_wait3A_59 = arith.constant 0 : i32
      %dma_wait3A_60 = arith.constant 0 : i32
      %dma_wait3A_61 = arith.constant 0 : i32
      %dma_wait3A_62 = tpu.memref_slice %arg11[%dma_wait3A_59, %dma_wait3A_61] : memref<4x128xf32, #tpu.memory_space<vmem>> -> memref<1x128xf32, #tpu.memory_space<vmem>>
      %dma_wait3A_63 = tpu.memref_squeeze %dma_wait3A_62 : memref<1x128xf32, #tpu.memory_space<vmem>> -> memref<128xf32, #tpu.memory_space<vmem>>
      %dma_wait3A_64 = arith.constant 0 : i32
      %dma_wait3A_65 = tpu.memref_slice %arg12[%dma_wait3A_60, %dma_wait3A_64] : memref<4x128xi32, #tpu.memory_space<vmem>> -> memref<1x128xi32, #tpu.memory_space<vmem>>
      %dma_wait3A_66 = tpu.memref_squeeze %dma_wait3A_65 : memref<1x128xi32, #tpu.memory_space<vmem>> -> memref<128xi32, #tpu.memory_space<vmem>>
      %dma_wait3A_67 = arith.constant 0 : i32
      %dma_wait3A_68 = tpu.memref_slice %arg15[%dma_wait3A_67] : memref<40960xf32, #tpu.memory_space<vmem_shared>> -> memref<40960xf32, #tpu.memory_space<vmem_shared>>
      tpu.wait_indirect_dma semaphore(%arg16 : memref<!tpu.dma_semaphore, #tpu.memory_space<semaphore_mem>>) src(%dma_wait3A_63 : memref<128xf32, #tpu.memory_space<vmem>>) dst(%dma_wait3A_68 : memref<40960xf32, #tpu.memory_space<vmem_shared>>)
      %dma_start3A_69 = arith.constant 1 : i32
      %dma_start3A_70 = arith.constant 1 : i32
      %dma_start3A_71 = arith.constant 0 : i32
      %dma_start3A_72 = tpu.memref_slice %arg11[%dma_start3A_69, %dma_start3A_71] : memref<4x128xf32, #tpu.memory_space<vmem>> -> memref<1x128xf32, #tpu.memory_space<vmem>>
      %dma_start3A_73 = tpu.memref_squeeze %dma_start3A_72 : memref<1x128xf32, #tpu.memory_space<vmem>> -> memref<128xf32, #tpu.memory_space<vmem>>
      %dma_start3A_74 = arith.constant 0 : i32
      %dma_start3A_75 = tpu.memref_slice %arg12[%dma_start3A_70, %dma_start3A_74] : memref<4x128xi32, #tpu.memory_space<vmem>> -> memref<1x128xi32, #tpu.memory_space<vmem>>
      %dma_start3A_76 = tpu.memref_squeeze %dma_start3A_75 : memref<1x128xi32, #tpu.memory_space<vmem>> -> memref<128xi32, #tpu.memory_space<vmem>>
      %dma_start3A_77 = arith.constant 0 : i32
      %dma_start3A_78 = tpu.memref_slice %arg15[%dma_start3A_77] : memref<40960xf32, #tpu.memory_space<vmem_shared>> -> memref<40960xf32, #tpu.memory_space<vmem_shared>>
      tpu.enqueue_indirect_dma source(%dma_start3A_73 : memref<128xf32, #tpu.memory_space<vmem>>) target(%dma_start3A_78 : memref<40960xf32, #tpu.memory_space<vmem_shared>>) offsets(%dma_start3A_76 : memref<128xi32, #tpu.memory_space<vmem>>) semaphore(%arg16 : memref<!tpu.dma_semaphore, #tpu.memory_space<semaphore_mem>>) {add = true}
      %dma_wait3A_79 = arith.constant 1 : i32
      %dma_wait3A_80 = arith.constant 1 : i32
      %dma_wait3A_81 = arith.constant 0 : i32
      %dma_wait3A_82 = tpu.memref_slice %arg11[%dma_wait3A_79, %dma_wait3A_81] : memref<4x128xf32, #tpu.memory_space<vmem>> -> memref<1x128xf32, #tpu.memory_space<vmem>>
      %dma_wait3A_83 = tpu.memref_squeeze %dma_wait3A_82 : memref<1x128xf32, #tpu.memory_space<vmem>> -> memref<128xf32, #tpu.memory_space<vmem>>
      %dma_wait3A_84 = arith.constant 0 : i32
      %dma_wait3A_85 = tpu.memref_slice %arg12[%dma_wait3A_80, %dma_wait3A_84] : memref<4x128xi32, #tpu.memory_space<vmem>> -> memref<1x128xi32, #tpu.memory_space<vmem>>
      %dma_wait3A_86 = tpu.memref_squeeze %dma_wait3A_85 : memref<1x128xi32, #tpu.memory_space<vmem>> -> memref<128xi32, #tpu.memory_space<vmem>>
      %dma_wait3A_87 = arith.constant 0 : i32
      %dma_wait3A_88 = tpu.memref_slice %arg15[%dma_wait3A_87] : memref<40960xf32, #tpu.memory_space<vmem_shared>> -> memref<40960xf32, #tpu.memory_space<vmem_shared>>
      tpu.wait_indirect_dma semaphore(%arg16 : memref<!tpu.dma_semaphore, #tpu.memory_space<semaphore_mem>>) src(%dma_wait3A_83 : memref<128xf32, #tpu.memory_space<vmem>>) dst(%dma_wait3A_88 : memref<40960xf32, #tpu.memory_space<vmem_shared>>)
      %dma_start3A_89 = arith.constant 2 : i32
      %dma_start3A_90 = arith.constant 2 : i32
      %dma_start3A_91 = arith.constant 0 : i32
      %dma_start3A_92 = tpu.memref_slice %arg11[%dma_start3A_89, %dma_start3A_91] : memref<4x128xf32, #tpu.memory_space<vmem>> -> memref<1x128xf32, #tpu.memory_space<vmem>>
      %dma_start3A_93 = tpu.memref_squeeze %dma_start3A_92 : memref<1x128xf32, #tpu.memory_space<vmem>> -> memref<128xf32, #tpu.memory_space<vmem>>
      %dma_start3A_94 = arith.constant 0 : i32
      %dma_start3A_95 = tpu.memref_slice %arg12[%dma_start3A_90, %dma_start3A_94] : memref<4x128xi32, #tpu.memory_space<vmem>> -> memref<1x128xi32, #tpu.memory_space<vmem>>
      %dma_start3A_96 = tpu.memref_squeeze %dma_start3A_95 : memref<1x128xi32, #tpu.memory_space<vmem>> -> memref<128xi32, #tpu.memory_space<vmem>>
      %dma_start3A_97 = arith.constant 0 : i32
      %dma_start3A_98 = tpu.memref_slice %arg15[%dma_start3A_97] : memref<40960xf32, #tpu.memory_space<vmem_shared>> -> memref<40960xf32, #tpu.memory_space<vmem_shared>>
      tpu.enqueue_indirect_dma source(%dma_start3A_93 : memref<128xf32, #tpu.memory_space<vmem>>) target(%dma_start3A_98 : memref<40960xf32, #tpu.memory_space<vmem_shared>>) offsets(%dma_start3A_96 : memref<128xi32, #tpu.memory_space<vmem>>) semaphore(%arg16 : memref<!tpu.dma_semaphore, #tpu.memory_space<semaphore_mem>>) {add = true}
      %dma_wait3A_99 = arith.constant 2 : i32
      %dma_wait3A_100 = arith.constant 2 : i32
      %dma_wait3A_101 = arith.constant 0 : i32
      %dma_wait3A_102 = tpu.memref_slice %arg11[%dma_wait3A_99, %dma_wait3A_101] : memref<4x128xf32, #tpu.memory_space<vmem>> -> memref<1x128xf32, #tpu.memory_space<vmem>>
      %dma_wait3A_103 = tpu.memref_squeeze %dma_wait3A_102 : memref<1x128xf32, #tpu.memory_space<vmem>> -> memref<128xf32, #tpu.memory_space<vmem>>
      %dma_wait3A_104 = arith.constant 0 : i32
      %dma_wait3A_105 = tpu.memref_slice %arg12[%dma_wait3A_100, %dma_wait3A_104] : memref<4x128xi32, #tpu.memory_space<vmem>> -> memref<1x128xi32, #tpu.memory_space<vmem>>
      %dma_wait3A_106 = tpu.memref_squeeze %dma_wait3A_105 : memref<1x128xi32, #tpu.memory_space<vmem>> -> memref<128xi32, #tpu.memory_space<vmem>>
      %dma_wait3A_107 = arith.constant 0 : i32
      %dma_wait3A_108 = tpu.memref_slice %arg15[%dma_wait3A_107] : memref<40960xf32, #tpu.memory_space<vmem_shared>> -> memref<40960xf32, #tpu.memory_space<vmem_shared>>
      tpu.wait_indirect_dma semaphore(%arg16 : memref<!tpu.dma_semaphore, #tpu.memory_space<semaphore_mem>>) src(%dma_wait3A_103 : memref<128xf32, #tpu.memory_space<vmem>>) dst(%dma_wait3A_108 : memref<40960xf32, #tpu.memory_space<vmem_shared>>)
      %dma_start3A_109 = arith.constant 3 : i32
      %dma_start3A_110 = arith.constant 3 : i32
      %dma_start3A_111 = arith.constant 0 : i32
      %dma_start3A_112 = tpu.memref_slice %arg11[%dma_start3A_109, %dma_start3A_111] : memref<4x128xf32, #tpu.memory_space<vmem>> -> memref<1x128xf32, #tpu.memory_space<vmem>>
      %dma_start3A_113 = tpu.memref_squeeze %dma_start3A_112 : memref<1x128xf32, #tpu.memory_space<vmem>> -> memref<128xf32, #tpu.memory_space<vmem>>
      %dma_start3A_114 = arith.constant 0 : i32
      %dma_start3A_115 = tpu.memref_slice %arg12[%dma_start3A_110, %dma_start3A_114] : memref<4x128xi32, #tpu.memory_space<vmem>> -> memref<1x128xi32, #tpu.memory_space<vmem>>
      %dma_start3A_116 = tpu.memref_squeeze %dma_start3A_115 : memref<1x128xi32, #tpu.memory_space<vmem>> -> memref<128xi32, #tpu.memory_space<vmem>>
      %dma_start3A_117 = arith.constant 0 : i32
      %dma_start3A_118 = tpu.memref_slice %arg15[%dma_start3A_117] : memref<40960xf32, #tpu.memory_space<vmem_shared>> -> memref<40960xf32, #tpu.memory_space<vmem_shared>>
      tpu.enqueue_indirect_dma source(%dma_start3A_113 : memref<128xf32, #tpu.memory_space<vmem>>) target(%dma_start3A_118 : memref<40960xf32, #tpu.memory_space<vmem_shared>>) offsets(%dma_start3A_116 : memref<128xi32, #tpu.memory_space<vmem>>) semaphore(%arg16 : memref<!tpu.dma_semaphore, #tpu.memory_space<semaphore_mem>>) {add = true}
      %dma_wait3A_119 = arith.constant 3 : i32
      %dma_wait3A_120 = arith.constant 3 : i32
      %dma_wait3A_121 = arith.constant 0 : i32
      %dma_wait3A_122 = tpu.memref_slice %arg11[%dma_wait3A_119, %dma_wait3A_121] : memref<4x128xf32, #tpu.memory_space<vmem>> -> memref<1x128xf32, #tpu.memory_space<vmem>>
      %dma_wait3A_123 = tpu.memref_squeeze %dma_wait3A_122 : memref<1x128xf32, #tpu.memory_space<vmem>> -> memref<128xf32, #tpu.memory_space<vmem>>
      %dma_wait3A_124 = arith.constant 0 : i32
      %dma_wait3A_125 = tpu.memref_slice %arg12[%dma_wait3A_120, %dma_wait3A_124] : memref<4x128xi32, #tpu.memory_space<vmem>> -> memref<1x128xi32, #tpu.memory_space<vmem>>
      %dma_wait3A_126 = tpu.memref_squeeze %dma_wait3A_125 : memref<1x128xi32, #tpu.memory_space<vmem>> -> memref<128xi32, #tpu.memory_space<vmem>>
      %dma_wait3A_127 = arith.constant 0 : i32
      %dma_wait3A_128 = tpu.memref_slice %arg15[%dma_wait3A_127] : memref<40960xf32, #tpu.memory_space<vmem_shared>> -> memref<40960xf32, #tpu.memory_space<vmem_shared>>
      tpu.wait_indirect_dma semaphore(%arg16 : memref<!tpu.dma_semaphore, #tpu.memory_space<semaphore_mem>>) src(%dma_wait3A_123 : memref<128xf32, #tpu.memory_space<vmem>>) dst(%dma_wait3A_128 : memref<40960xf32, #tpu.memory_space<vmem_shared>>)
    }
    %while3A_32 = arith.constant 1 : i32
    scf.for %while3A_34 = %while3A_30 to %while3A_26 step %while3A_32  : i32 {
      %mul3A_35 = arith.constant 1250 : i32
      %mul3A_36 = arith.muli %arg0, %mul3A_35 : i32
      %add3A_37 = arith.addi %mul3A_36, %arg1 : i32
      %mul3A_38 = arith.constant 16 : i32
      %mul3A_39 = arith.muli %while3A_34, %mul3A_38 : i32
      %add3A_40 = arith.addi %add3A_37, %mul3A_39 : i32
      %mul3A_41 = arith.constant 128 : i32
      %mul3A_42 = arith.muli %add3A_40, %mul3A_41 : i32
      "tpu.region"() ({
        %run_scoped3A = tpu.sem_alloc : memref<!tpu.dma_semaphore, #tpu.memory_space<semaphore_mem>>
        %dma_start3A_129 = arith.constant 0 : i32
        %dma_start3A_130 = tpu.memref_slice %arg2[%mul3A_42, %dma_start3A_129] : memref<320000x128xf32, #tpu.memory_space<hbm>> -> memref<128x128xf32, #tpu.memory_space<hbm>>
        %dma_start3A_131 = arith.constant 0 : i32
        %dma_start3A_132 = tpu.memref_slice %arg2[%mul3A_42, %dma_start3A_131] : memref<320000x128xf32, #tpu.memory_space<hbm>> -> memref<128x128xf32, #tpu.memory_space<hbm>>
        tpu.enqueue_dma source(%dma_start3A_132 : memref<128x128xf32, #tpu.memory_space<hbm>>) target(%arg10 : memref<128x128xf32, #tpu.memory_space<vmem>>) target_semaphore(%run_scoped3A : memref<!tpu.dma_semaphore, #tpu.memory_space<semaphore_mem>>)
        %dma_wait3A_133 = arith.constant 0 : i32
        %dma_wait3A_134 = tpu.memref_slice %arg2[%mul3A_42, %dma_wait3A_133] : memref<320000x128xf32, #tpu.memory_space<hbm>> -> memref<128x128xf32, #tpu.memory_space<hbm>>
        %dma_wait3A_135 = arith.constant 0 : i32
        %dma_wait3A_136 = tpu.memref_slice %arg2[%mul3A_42, %dma_wait3A_135] : memref<320000x128xf32, #tpu.memory_space<hbm>> -> memref<128x128xf32, #tpu.memory_space<hbm>>
        tpu.wait_dma2 semaphore(%run_scoped3A : memref<!tpu.dma_semaphore, #tpu.memory_space<semaphore_mem>>) src(%dma_wait3A_136 : memref<128x128xf32, #tpu.memory_space<hbm>>) dst(%arg10 : memref<128x128xf32, #tpu.memory_space<vmem>>)
        tpu.yield
      }) : () -> ()
      %mul3A_43 = arith.constant 128 : i32
      %mul3A_44 = arith.muli %add3A_40, %mul3A_43 : i32
      "tpu.region"() ({
        %run_scoped3A = tpu.sem_alloc : memref<!tpu.dma_semaphore, #tpu.memory_space<semaphore_mem>>
        %dma_start3A_129 = tpu.memref_slice %arg5[%mul3A_44] : memref<320000xi32, #tpu.memory_space<hbm>> -> memref<128xi32, #tpu.memory_space<hbm>>
        %dma_start3A_130 = tpu.memref_slice %arg5[%mul3A_44] : memref<320000xi32, #tpu.memory_space<hbm>> -> memref<128xi32, #tpu.memory_space<hbm>>
        tpu.enqueue_dma source(%dma_start3A_130 : memref<128xi32, #tpu.memory_space<hbm>>) target(%arg13 : memref<128xi32, #tpu.memory_space<vmem>>) target_semaphore(%run_scoped3A : memref<!tpu.dma_semaphore, #tpu.memory_space<semaphore_mem>>)
        %dma_wait3A_131 = tpu.memref_slice %arg5[%mul3A_44] : memref<320000xi32, #tpu.memory_space<hbm>> -> memref<128xi32, #tpu.memory_space<hbm>>
        %dma_wait3A_132 = tpu.memref_slice %arg5[%mul3A_44] : memref<320000xi32, #tpu.memory_space<hbm>> -> memref<128xi32, #tpu.memory_space<hbm>>
        tpu.wait_dma2 semaphore(%run_scoped3A : memref<!tpu.dma_semaphore, #tpu.memory_space<semaphore_mem>>) src(%dma_wait3A_132 : memref<128xi32, #tpu.memory_space<hbm>>) dst(%arg13 : memref<128xi32, #tpu.memory_space<vmem>>)
        tpu.yield
      }) : () -> ()
      "tpu.region"() ({
        %run_scoped3A = tpu.sem_alloc : memref<!tpu.dma_semaphore, #tpu.memory_space<semaphore_mem>>
        %dma_start3A_129 = arith.constant 0 : i32
        %dma_start3A_130 = arith.constant 0 : i32
        %dma_start3A_131 = tpu.memref_slice %arg3[%add3A_40, %dma_start3A_129, %dma_start3A_130] : memref<2500x4x128xf32, #tpu.memory_space<hbm>> -> memref<1x4x128xf32, #tpu.memory_space<hbm>>
        %dma_start3A_132 = tpu.memref_squeeze %dma_start3A_131 : memref<1x4x128xf32, #tpu.memory_space<hbm>> -> memref<4x128xf32, #tpu.memory_space<hbm>>
        %dma_start3A_133 = arith.constant 0 : i32
        %dma_start3A_134 = arith.constant 0 : i32
        %dma_start3A_135 = tpu.memref_slice %arg3[%add3A_40, %dma_start3A_133, %dma_start3A_134] : memref<2500x4x128xf32, #tpu.memory_space<hbm>> -> memref<1x4x128xf32, #tpu.memory_space<hbm>>
        %dma_start3A_136 = tpu.memref_squeeze %dma_start3A_135 : memref<1x4x128xf32, #tpu.memory_space<hbm>> -> memref<4x128xf32, #tpu.memory_space<hbm>>
        tpu.enqueue_dma source(%dma_start3A_136 : memref<4x128xf32, #tpu.memory_space<hbm>>) target(%arg11 : memref<4x128xf32, #tpu.memory_space<vmem>>) target_semaphore(%run_scoped3A : memref<!tpu.dma_semaphore, #tpu.memory_space<semaphore_mem>>)
        %dma_wait3A_137 = arith.constant 0 : i32
        %dma_wait3A_138 = arith.constant 0 : i32
        %dma_wait3A_139 = tpu.memref_slice %arg3[%add3A_40, %dma_wait3A_137, %dma_wait3A_138] : memref<2500x4x128xf32, #tpu.memory_space<hbm>> -> memref<1x4x128xf32, #tpu.memory_space<hbm>>
        %dma_wait3A_140 = tpu.memref_squeeze %dma_wait3A_139 : memref<1x4x128xf32, #tpu.memory_space<hbm>> -> memref<4x128xf32, #tpu.memory_space<hbm>>
        %dma_wait3A_141 = arith.constant 0 : i32
        %dma_wait3A_142 = arith.constant 0 : i32
        %dma_wait3A_143 = tpu.memref_slice %arg3[%add3A_40, %dma_wait3A_141, %dma_wait3A_142] : memref<2500x4x128xf32, #tpu.memory_space<hbm>> -> memref<1x4x128xf32, #tpu.memory_space<hbm>>
        %dma_wait3A_144 = tpu.memref_squeeze %dma_wait3A_143 : memref<1x4x128xf32, #tpu.memory_space<hbm>> -> memref<4x128xf32, #tpu.memory_space<hbm>>
        tpu.wait_dma2 semaphore(%run_scoped3A : memref<!tpu.dma_semaphore, #tpu.memory_space<semaphore_mem>>) src(%dma_wait3A_144 : memref<4x128xf32, #tpu.memory_space<hbm>>) dst(%arg11 : memref<4x128xf32, #tpu.memory_space<vmem>>)
        tpu.yield
      }) : () -> ()
      "tpu.region"() ({
        %run_scoped3A = tpu.sem_alloc : memref<!tpu.dma_semaphore, #tpu.memory_space<semaphore_mem>>
        %dma_start3A_129 = arith.constant 0 : i32
        %dma_start3A_130 = arith.constant 0 : i32
        %dma_start3A_131 = tpu.memref_slice %arg4[%add3A_40, %dma_start3A_129, %dma_start3A_130] : memref<2500x4x128xi32, #tpu.memory_space<hbm>> -> memref<1x4x128xi32, #tpu.memory_space<hbm>>
        %dma_start3A_132 = tpu.memref_squeeze %dma_start3A_131 : memref<1x4x128xi32, #tpu.memory_space<hbm>> -> memref<4x128xi32, #tpu.memory_space<hbm>>
        %dma_start3A_133 = arith.constant 0 : i32
        %dma_start3A_134 = arith.constant 0 : i32
        %dma_start3A_135 = tpu.memref_slice %arg4[%add3A_40, %dma_start3A_133, %dma_start3A_134] : memref<2500x4x128xi32, #tpu.memory_space<hbm>> -> memref<1x4x128xi32, #tpu.memory_space<hbm>>
        %dma_start3A_136 = tpu.memref_squeeze %dma_start3A_135 : memref<1x4x128xi32, #tpu.memory_space<hbm>> -> memref<4x128xi32, #tpu.memory_space<hbm>>
        tpu.enqueue_dma source(%dma_start3A_136 : memref<4x128xi32, #tpu.memory_space<hbm>>) target(%arg12 : memref<4x128xi32, #tpu.memory_space<vmem>>) target_semaphore(%run_scoped3A : memref<!tpu.dma_semaphore, #tpu.memory_space<semaphore_mem>>)
        %dma_wait3A_137 = arith.constant 0 : i32
        %dma_wait3A_138 = arith.constant 0 : i32
        %dma_wait3A_139 = tpu.memref_slice %arg4[%add3A_40, %dma_wait3A_137, %dma_wait3A_138] : memref<2500x4x128xi32, #tpu.memory_space<hbm>> -> memref<1x4x128xi32, #tpu.memory_space<hbm>>
        %dma_wait3A_140 = tpu.memref_squeeze %dma_wait3A_139 : memref<1x4x128xi32, #tpu.memory_space<hbm>> -> memref<4x128xi32, #tpu.memory_space<hbm>>
        %dma_wait3A_141 = arith.constant 0 : i32
        %dma_wait3A_142 = arith.constant 0 : i32
        %dma_wait3A_143 = tpu.memref_slice %arg4[%add3A_40, %dma_wait3A_141, %dma_wait3A_142] : memref<2500x4x128xi32, #tpu.memory_space<hbm>> -> memref<1x4x128xi32, #tpu.memory_space<hbm>>
        %dma_wait3A_144 = tpu.memref_squeeze %dma_wait3A_143 : memref<1x4x128xi32, #tpu.memory_space<hbm>> -> memref<4x128xi32, #tpu.memory_space<hbm>>
        tpu.wait_dma2 semaphore(%run_scoped3A : memref<!tpu.dma_semaphore, #tpu.memory_space<semaphore_mem>>) src(%dma_wait3A_144 : memref<4x128xi32, #tpu.memory_space<hbm>>) dst(%arg12 : memref<4x128xi32, #tpu.memory_space<vmem>>)
        tpu.yield
      }) : () -> ()
      %dma_start3A = arith.constant 0 : i32
      %dma_start3A_45 = arith.constant 0 : i32
      %dma_start3A_46 = tpu.memref_slice %arg14[%dma_start3A, %dma_start3A_45] : memref<10240x128xf32, #tpu.memory_space<vmem_shared>> -> memref<10240x128xf32, #tpu.memory_space<vmem_shared>>
      tpu.enqueue_indirect_dma source(%arg10 : memref<128x128xf32, #tpu.memory_space<vmem>>) target(%dma_start3A_46 : memref<10240x128xf32, #tpu.memory_space<vmem_shared>>) offsets(%arg13 : memref<128xi32, #tpu.memory_space<vmem>>) semaphore(%arg16 : memref<!tpu.dma_semaphore, #tpu.memory_space<semaphore_mem>>) {add = true}
      %dma_wait3A = arith.constant 0 : i32
      %dma_wait3A_47 = arith.constant 0 : i32
      %dma_wait3A_48 = tpu.memref_slice %arg14[%dma_wait3A, %dma_wait3A_47] : memref<10240x128xf32, #tpu.memory_space<vmem_shared>> -> memref<10240x128xf32, #tpu.memory_space<vmem_shared>>
      tpu.wait_indirect_dma semaphore(%arg16 : memref<!tpu.dma_semaphore, #tpu.memory_space<semaphore_mem>>) src(%arg10 : memref<128x128xf32, #tpu.memory_space<vmem>>) dst(%dma_wait3A_48 : memref<10240x128xf32, #tpu.memory_space<vmem_shared>>)
      %dma_start3A_49 = arith.constant 0 : i32
      %dma_start3A_50 = arith.constant 0 : i32
      %dma_start3A_51 = arith.constant 0 : i32
      %dma_start3A_52 = tpu.memref_slice %arg11[%dma_start3A_49, %dma_start3A_51] : memref<4x128xf32, #tpu.memory_space<vmem>> -> memref<1x128xf32, #tpu.memory_space<vmem>>
      %dma_start3A_53 = tpu.memref_squeeze %dma_start3A_52 : memref<1x128xf32, #tpu.memory_space<vmem>> -> memref<128xf32, #tpu.memory_space<vmem>>
      %dma_start3A_54 = arith.constant 0 : i32
      %dma_start3A_55 = tpu.memref_slice %arg12[%dma_start3A_50, %dma_start3A_54] : memref<4x128xi32, #tpu.memory_space<vmem>> -> memref<1x128xi32, #tpu.memory_space<vmem>>
      %dma_start3A_56 = tpu.memref_squeeze %dma_start3A_55 : memref<1x128xi32, #tpu.memory_space<vmem>> -> memref<128xi32, #tpu.memory_space<vmem>>
      %dma_start3A_57 = arith.constant 0 : i32
      %dma_start3A_58 = tpu.memref_slice %arg15[%dma_start3A_57] : memref<40960xf32, #tpu.memory_space<vmem_shared>> -> memref<40960xf32, #tpu.memory_space<vmem_shared>>
      tpu.enqueue_indirect_dma source(%dma_start3A_53 : memref<128xf32, #tpu.memory_space<vmem>>) target(%dma_start3A_58 : memref<40960xf32, #tpu.memory_space<vmem_shared>>) offsets(%dma_start3A_56 : memref<128xi32, #tpu.memory_space<vmem>>) semaphore(%arg16 : memref<!tpu.dma_semaphore, #tpu.memory_space<semaphore_mem>>) {add = true}
      %dma_wait3A_59 = arith.constant 0 : i32
      %dma_wait3A_60 = arith.constant 0 : i32
      %dma_wait3A_61 = arith.constant 0 : i32
      %dma_wait3A_62 = tpu.memref_slice %arg11[%dma_wait3A_59, %dma_wait3A_61] : memref<4x128xf32, #tpu.memory_space<vmem>> -> memref<1x128xf32, #tpu.memory_space<vmem>>
      %dma_wait3A_63 = tpu.memref_squeeze %dma_wait3A_62 : memref<1x128xf32, #tpu.memory_space<vmem>> -> memref<128xf32, #tpu.memory_space<vmem>>
      %dma_wait3A_64 = arith.constant 0 : i32
      %dma_wait3A_65 = tpu.memref_slice %arg12[%dma_wait3A_60, %dma_wait3A_64] : memref<4x128xi32, #tpu.memory_space<vmem>> -> memref<1x128xi32, #tpu.memory_space<vmem>>
      %dma_wait3A_66 = tpu.memref_squeeze %dma_wait3A_65 : memref<1x128xi32, #tpu.memory_space<vmem>> -> memref<128xi32, #tpu.memory_space<vmem>>
      %dma_wait3A_67 = arith.constant 0 : i32
      %dma_wait3A_68 = tpu.memref_slice %arg15[%dma_wait3A_67] : memref<40960xf32, #tpu.memory_space<vmem_shared>> -> memref<40960xf32, #tpu.memory_space<vmem_shared>>
      tpu.wait_indirect_dma semaphore(%arg16 : memref<!tpu.dma_semaphore, #tpu.memory_space<semaphore_mem>>) src(%dma_wait3A_63 : memref<128xf32, #tpu.memory_space<vmem>>) dst(%dma_wait3A_68 : memref<40960xf32, #tpu.memory_space<vmem_shared>>)
      %dma_start3A_69 = arith.constant 1 : i32
      %dma_start3A_70 = arith.constant 1 : i32
      %dma_start3A_71 = arith.constant 0 : i32
      %dma_start3A_72 = tpu.memref_slice %arg11[%dma_start3A_69, %dma_start3A_71] : memref<4x128xf32, #tpu.memory_space<vmem>> -> memref<1x128xf32, #tpu.memory_space<vmem>>
      %dma_start3A_73 = tpu.memref_squeeze %dma_start3A_72 : memref<1x128xf32, #tpu.memory_space<vmem>> -> memref<128xf32, #tpu.memory_space<vmem>>
      %dma_start3A_74 = arith.constant 0 : i32
      %dma_start3A_75 = tpu.memref_slice %arg12[%dma_start3A_70, %dma_start3A_74] : memref<4x128xi32, #tpu.memory_space<vmem>> -> memref<1x128xi32, #tpu.memory_space<vmem>>
      %dma_start3A_76 = tpu.memref_squeeze %dma_start3A_75 : memref<1x128xi32, #tpu.memory_space<vmem>> -> memref<128xi32, #tpu.memory_space<vmem>>
      %dma_start3A_77 = arith.constant 0 : i32
      %dma_start3A_78 = tpu.memref_slice %arg15[%dma_start3A_77] : memref<40960xf32, #tpu.memory_space<vmem_shared>> -> memref<40960xf32, #tpu.memory_space<vmem_shared>>
      tpu.enqueue_indirect_dma source(%dma_start3A_73 : memref<128xf32, #tpu.memory_space<vmem>>) target(%dma_start3A_78 : memref<40960xf32, #tpu.memory_space<vmem_shared>>) offsets(%dma_start3A_76 : memref<128xi32, #tpu.memory_space<vmem>>) semaphore(%arg16 : memref<!tpu.dma_semaphore, #tpu.memory_space<semaphore_mem>>) {add = true}
      %dma_wait3A_79 = arith.constant 1 : i32
      %dma_wait3A_80 = arith.constant 1 : i32
      %dma_wait3A_81 = arith.constant 0 : i32
      %dma_wait3A_82 = tpu.memref_slice %arg11[%dma_wait3A_79, %dma_wait3A_81] : memref<4x128xf32, #tpu.memory_space<vmem>> -> memref<1x128xf32, #tpu.memory_space<vmem>>
      %dma_wait3A_83 = tpu.memref_squeeze %dma_wait3A_82 : memref<1x128xf32, #tpu.memory_space<vmem>> -> memref<128xf32, #tpu.memory_space<vmem>>
      %dma_wait3A_84 = arith.constant 0 : i32
      %dma_wait3A_85 = tpu.memref_slice %arg12[%dma_wait3A_80, %dma_wait3A_84] : memref<4x128xi32, #tpu.memory_space<vmem>> -> memref<1x128xi32, #tpu.memory_space<vmem>>
      %dma_wait3A_86 = tpu.memref_squeeze %dma_wait3A_85 : memref<1x128xi32, #tpu.memory_space<vmem>> -> memref<128xi32, #tpu.memory_space<vmem>>
      %dma_wait3A_87 = arith.constant 0 : i32
      %dma_wait3A_88 = tpu.memref_slice %arg15[%dma_wait3A_87] : memref<40960xf32, #tpu.memory_space<vmem_shared>> -> memref<40960xf32, #tpu.memory_space<vmem_shared>>
      tpu.wait_indirect_dma semaphore(%arg16 : memref<!tpu.dma_semaphore, #tpu.memory_space<semaphore_mem>>) src(%dma_wait3A_83 : memref<128xf32, #tpu.memory_space<vmem>>) dst(%dma_wait3A_88 : memref<40960xf32, #tpu.memory_space<vmem_shared>>)
      %dma_start3A_89 = arith.constant 2 : i32
      %dma_start3A_90 = arith.constant 2 : i32
      %dma_start3A_91 = arith.constant 0 : i32
      %dma_start3A_92 = tpu.memref_slice %arg11[%dma_start3A_89, %dma_start3A_91] : memref<4x128xf32, #tpu.memory_space<vmem>> -> memref<1x128xf32, #tpu.memory_space<vmem>>
      %dma_start3A_93 = tpu.memref_squeeze %dma_start3A_92 : memref<1x128xf32, #tpu.memory_space<vmem>> -> memref<128xf32, #tpu.memory_space<vmem>>
      %dma_start3A_94 = arith.constant 0 : i32
      %dma_start3A_95 = tpu.memref_slice %arg12[%dma_start3A_90, %dma_start3A_94] : memref<4x128xi32, #tpu.memory_space<vmem>> -> memref<1x128xi32, #tpu.memory_space<vmem>>
      %dma_start3A_96 = tpu.memref_squeeze %dma_start3A_95 : memref<1x128xi32, #tpu.memory_space<vmem>> -> memref<128xi32, #tpu.memory_space<vmem>>
      %dma_start3A_97 = arith.constant 0 : i32
      %dma_start3A_98 = tpu.memref_slice %arg15[%dma_start3A_97] : memref<40960xf32, #tpu.memory_space<vmem_shared>> -> memref<40960xf32, #tpu.memory_space<vmem_shared>>
      tpu.enqueue_indirect_dma source(%dma_start3A_93 : memref<128xf32, #tpu.memory_space<vmem>>) target(%dma_start3A_98 : memref<40960xf32, #tpu.memory_space<vmem_shared>>) offsets(%dma_start3A_96 : memref<128xi32, #tpu.memory_space<vmem>>) semaphore(%arg16 : memref<!tpu.dma_semaphore, #tpu.memory_space<semaphore_mem>>) {add = true}
      %dma_wait3A_99 = arith.constant 2 : i32
      %dma_wait3A_100 = arith.constant 2 : i32
      %dma_wait3A_101 = arith.constant 0 : i32
      %dma_wait3A_102 = tpu.memref_slice %arg11[%dma_wait3A_99, %dma_wait3A_101] : memref<4x128xf32, #tpu.memory_space<vmem>> -> memref<1x128xf32, #tpu.memory_space<vmem>>
      %dma_wait3A_103 = tpu.memref_squeeze %dma_wait3A_102 : memref<1x128xf32, #tpu.memory_space<vmem>> -> memref<128xf32, #tpu.memory_space<vmem>>
      %dma_wait3A_104 = arith.constant 0 : i32
      %dma_wait3A_105 = tpu.memref_slice %arg12[%dma_wait3A_100, %dma_wait3A_104] : memref<4x128xi32, #tpu.memory_space<vmem>> -> memref<1x128xi32, #tpu.memory_space<vmem>>
      %dma_wait3A_106 = tpu.memref_squeeze %dma_wait3A_105 : memref<1x128xi32, #tpu.memory_space<vmem>> -> memref<128xi32, #tpu.memory_space<vmem>>
      %dma_wait3A_107 = arith.constant 0 : i32
      %dma_wait3A_108 = tpu.memref_slice %arg15[%dma_wait3A_107] : memref<40960xf32, #tpu.memory_space<vmem_shared>> -> memref<40960xf32, #tpu.memory_space<vmem_shared>>
      tpu.wait_indirect_dma semaphore(%arg16 : memref<!tpu.dma_semaphore, #tpu.memory_space<semaphore_mem>>) src(%dma_wait3A_103 : memref<128xf32, #tpu.memory_space<vmem>>) dst(%dma_wait3A_108 : memref<40960xf32, #tpu.memory_space<vmem_shared>>)
      %dma_start3A_109 = arith.constant 3 : i32
      %dma_start3A_110 = arith.constant 3 : i32
      %dma_start3A_111 = arith.constant 0 : i32
      %dma_start3A_112 = tpu.memref_slice %arg11[%dma_start3A_109, %dma_start3A_111] : memref<4x128xf32, #tpu.memory_space<vmem>> -> memref<1x128xf32, #tpu.memory_space<vmem>>
      %dma_start3A_113 = tpu.memref_squeeze %dma_start3A_112 : memref<1x128xf32, #tpu.memory_space<vmem>> -> memref<128xf32, #tpu.memory_space<vmem>>
      %dma_start3A_114 = arith.constant 0 : i32
      %dma_start3A_115 = tpu.memref_slice %arg12[%dma_start3A_110, %dma_start3A_114] : memref<4x128xi32, #tpu.memory_space<vmem>> -> memref<1x128xi32, #tpu.memory_space<vmem>>
      %dma_start3A_116 = tpu.memref_squeeze %dma_start3A_115 : memref<1x128xi32, #tpu.memory_space<vmem>> -> memref<128xi32, #tpu.memory_space<vmem>>
      %dma_start3A_117 = arith.constant 0 : i32
      %dma_start3A_118 = tpu.memref_slice %arg15[%dma_start3A_117] : memref<40960xf32, #tpu.memory_space<vmem_shared>> -> memref<40960xf32, #tpu.memory_space<vmem_shared>>
      tpu.enqueue_indirect_dma source(%dma_start3A_113 : memref<128xf32, #tpu.memory_space<vmem>>) target(%dma_start3A_118 : memref<40960xf32, #tpu.memory_space<vmem_shared>>) offsets(%dma_start3A_116 : memref<128xi32, #tpu.memory_space<vmem>>) semaphore(%arg16 : memref<!tpu.dma_semaphore, #tpu.memory_space<semaphore_mem>>) {add = true}
      %dma_wait3A_119 = arith.constant 3 : i32
      %dma_wait3A_120 = arith.constant 3 : i32
      %dma_wait3A_121 = arith.constant 0 : i32
      %dma_wait3A_122 = tpu.memref_slice %arg11[%dma_wait3A_119, %dma_wait3A_121] : memref<4x128xf32, #tpu.memory_space<vmem>> -> memref<1x128xf32, #tpu.memory_space<vmem>>
      %dma_wait3A_123 = tpu.memref_squeeze %dma_wait3A_122 : memref<1x128xf32, #tpu.memory_space<vmem>> -> memref<128xf32, #tpu.memory_space<vmem>>
      %dma_wait3A_124 = arith.constant 0 : i32
      %dma_wait3A_125 = tpu.memref_slice %arg12[%dma_wait3A_120, %dma_wait3A_124] : memref<4x128xi32, #tpu.memory_space<vmem>> -> memref<1x128xi32, #tpu.memory_space<vmem>>
      %dma_wait3A_126 = tpu.memref_squeeze %dma_wait3A_125 : memref<1x128xi32, #tpu.memory_space<vmem>> -> memref<128xi32, #tpu.memory_space<vmem>>
      %dma_wait3A_127 = arith.constant 0 : i32
      %dma_wait3A_128 = tpu.memref_slice %arg15[%dma_wait3A_127] : memref<40960xf32, #tpu.memory_space<vmem_shared>> -> memref<40960xf32, #tpu.memory_space<vmem_shared>>
      tpu.wait_indirect_dma semaphore(%arg16 : memref<!tpu.dma_semaphore, #tpu.memory_space<semaphore_mem>>) src(%dma_wait3A_123 : memref<128xf32, #tpu.memory_space<vmem>>) dst(%dma_wait3A_128 : memref<40960xf32, #tpu.memory_space<vmem_shared>>)
    }
    %barrier3A_33 = arith.constant 0 : index
    tpu.barrier barrier_id(%barrier3A_33)
    "tpu.region"() ({
      %run_scoped3A = tpu.sem_alloc : memref<!tpu.dma_semaphore, #tpu.memory_space<semaphore_mem>>
      %dma_start3A = arith.constant 0 : i32
      %dma_start3A_34 = tpu.memref_slice %arg8[%arg0, %mul3A_0, %dma_start3A] : memref<2x10240x128xf32, #tpu.memory_space<hbm>> -> memref<1x640x128xf32, #tpu.memory_space<hbm>>
      %dma_start3A_35 = tpu.memref_squeeze %dma_start3A_34 : memref<1x640x128xf32, #tpu.memory_space<hbm>> -> memref<640x128xf32, #tpu.memory_space<hbm>>
      %dma_start3A_36 = arith.constant 0 : i32
      %dma_start3A_37 = tpu.memref_slice %arg14[%mul3A_0, %dma_start3A_36] : memref<10240x128xf32, #tpu.memory_space<vmem_shared>> -> memref<640x128xf32, #tpu.memory_space<vmem_shared>>
      tpu.enqueue_dma source(%dma_start3A_37 : memref<640x128xf32, #tpu.memory_space<vmem_shared>>) target(%dma_start3A_35 : memref<640x128xf32, #tpu.memory_space<hbm>>) target_semaphore(%run_scoped3A : memref<!tpu.dma_semaphore, #tpu.memory_space<semaphore_mem>>)
      %dma_wait3A = arith.constant 0 : i32
      %dma_wait3A_38 = tpu.memref_slice %arg8[%arg0, %mul3A_0, %dma_wait3A] : memref<2x10240x128xf32, #tpu.memory_space<hbm>> -> memref<1x640x128xf32, #tpu.memory_space<hbm>>
      %dma_wait3A_39 = tpu.memref_squeeze %dma_wait3A_38 : memref<1x640x128xf32, #tpu.memory_space<hbm>> -> memref<640x128xf32, #tpu.memory_space<hbm>>
      %dma_wait3A_40 = arith.constant 0 : i32
      %dma_wait3A_41 = tpu.memref_slice %arg14[%mul3A_0, %dma_wait3A_40] : memref<10240x128xf32, #tpu.memory_space<vmem_shared>> -> memref<640x128xf32, #tpu.memory_space<vmem_shared>>
      tpu.wait_dma2 semaphore(%run_scoped3A : memref<!tpu.dma_semaphore, #tpu.memory_space<semaphore_mem>>) src(%dma_wait3A_41 : memref<640x128xf32, #tpu.memory_space<vmem_shared>>) dst(%dma_wait3A_39 : memref<640x128xf32, #tpu.memory_space<hbm>>)
      tpu.yield
    }) : () -> ()
    "tpu.region"() ({
      %run_scoped3A = tpu.sem_alloc : memref<!tpu.dma_semaphore, #tpu.memory_space<semaphore_mem>>
      %dma_start3A = tpu.memref_slice %arg9[%arg0, %mul3A_2] : memref<2x40960xf32, #tpu.memory_space<hbm>> -> memref<1x2560xf32, #tpu.memory_space<hbm>>
      %dma_start3A_34 = tpu.memref_squeeze %dma_start3A : memref<1x2560xf32, #tpu.memory_space<hbm>> -> memref<2560xf32, #tpu.memory_space<hbm>>
      %dma_start3A_35 = tpu.memref_slice %arg15[%mul3A_2] : memref<40960xf32, #tpu.memory_space<vmem_shared>> -> memref<2560xf32, #tpu.memory_space<vmem_shared>>
      tpu.enqueue_dma source(%dma_start3A_35 : memref<2560xf32, #tpu.memory_space<vmem_shared>>) target(%dma_start3A_34 : memref<2560xf32, #tpu.memory_space<hbm>>) target_semaphore(%run_scoped3A : memref<!tpu.dma_semaphore, #tpu.memory_space<semaphore_mem>>)
      %dma_wait3A = tpu.memref_slice %arg9[%arg0, %mul3A_2] : memref<2x40960xf32, #tpu.memory_space<hbm>> -> memref<1x2560xf32, #tpu.memory_space<hbm>>
      %dma_wait3A_36 = tpu.memref_squeeze %dma_wait3A : memref<1x2560xf32, #tpu.memory_space<hbm>> -> memref<2560xf32, #tpu.memory_space<hbm>>
      %dma_wait3A_37 = tpu.memref_slice %arg15[%mul3A_2] : memref<40960xf32, #tpu.memory_space<vmem_shared>> -> memref<2560xf32, #tpu.memory_space<vmem_shared>>
      tpu.wait_dma2 semaphore(%run_scoped3A : memref<!tpu.dma_semaphore, #tpu.memory_space<semaphore_mem>>) src(%dma_wait3A_37 : memref<2560xf32, #tpu.memory_space<vmem_shared>>) dst(%dma_wait3A_36 : memref<2560xf32, #tpu.memory_space<hbm>>)
      tpu.yield
    }) : () -> ()
    return
  }
}

module attributes {stable_mosaic.version = 14 : i64} {
  func.func @_edge_body(%arg0: i32, %arg1: memref<2000x128xf32, #tpu.memory_space<vmem>>, %arg2: memref<2000x128xf32, #tpu.memory_space<vmem>>, %arg3: memref<2000x128xf32, #tpu.memory_space<vmem>>, %arg4: memref<2000x128xf32, #tpu.memory_space<vmem>>, %arg5: memref<2000x4xf32, #tpu.memory_space<vmem>>) attributes {dimension_semantics = [#tpu.dimension_semantics<arbitrary>], iteration_bounds = array<i64: 160>, scalar_prefetch = 0 : i64, scratch_operands = 0 : i64, tpu.core_type = #tpu.core_type<tc>, window_params = [{transform_indices = @transform_0, window_bounds = array<i64: 2000, 128>}, {transform_indices = @transform_1, window_bounds = array<i64: 2000, 128>}, {transform_indices = @transform_2, window_bounds = array<i64: 2000, 128>}, {transform_indices = @transform_3, window_bounds = array<i64: 2000, 128>}, {transform_indices = @transform_4, window_bounds = array<i64: 2000, 4>}]} {
    %get3A = arith.constant 0 : index
    %get3A_0 = arith.constant 0 : index
    %get3A_1 = vector.load %arg1[%get3A, %get3A_0] : memref<2000x128xf32, #tpu.memory_space<vmem>>, vector<2000x128xf32>
    %get3A_2 = arith.constant 0 : index
    %get3A_3 = arith.constant 0 : index
    %get3A_4 = vector.load %arg2[%get3A_2, %get3A_3] : memref<2000x128xf32, #tpu.memory_space<vmem>>, vector<2000x128xf32>
    %mul3A = arith.mulf %get3A_1, %get3A_4 : vector<2000x128xf32>
    %iota3A = tpu.iota {dimensions = array<i32: 0>} : vector<128x4xi32>
    %jit3A = arith.constant 32 : i32
    %div3A = vector.broadcast %jit3A : i32 to vector<128x4xi32>
    %div3A_5 = arith.divsi %iota3A, %div3A : vector<128x4xi32>
    %sign3A = arith.constant 0 : i32
    %sign3A_6 = vector.broadcast %sign3A : i32 to vector<128x4xi32>
    %sign3A_7 = arith.cmpi sgt, %iota3A, %sign3A_6 : vector<128x4xi32>
    %sign3A_8 = arith.extui %sign3A_7 : vector<128x4xi1> to vector<128x4xi32>
    %sign3A_9 = arith.constant 0 : i32
    %sign3A_10 = vector.broadcast %sign3A_9 : i32 to vector<128x4xi32>
    %sign3A_11 = arith.cmpi slt, %iota3A, %sign3A_10 : vector<128x4xi32>
    %sign3A_12 = arith.extui %sign3A_11 : vector<128x4xi1> to vector<128x4xi32>
    %sign3A_13 = arith.subi %sign3A_8, %sign3A_12 : vector<128x4xi32>
    %sign3A_14 = arith.constant 0 : i32
    %sign3A_15 = arith.cmpi sgt, %jit3A, %sign3A_14 : i32
    %sign3A_16 = arith.extui %sign3A_15 : i1 to i32
    %sign3A_17 = arith.constant 0 : i32
    %sign3A_18 = arith.cmpi slt, %jit3A, %sign3A_17 : i32
    %sign3A_19 = arith.extui %sign3A_18 : i1 to i32
    %sign3A_20 = arith.subi %sign3A_16, %sign3A_19 : i32
    %ne3A = vector.broadcast %sign3A_20 : i32 to vector<128x4xi32>
    %ne3A_21 = arith.cmpi ne, %sign3A_13, %ne3A : vector<128x4xi32>
    %rem3A = vector.broadcast %jit3A : i32 to vector<128x4xi32>
    %rem3A_22 = arith.remsi %iota3A, %rem3A : vector<128x4xi32>
    %ne3A_23 = arith.constant 0 : i32
    %ne3A_24 = vector.broadcast %ne3A_23 : i32 to vector<128x4xi32>
    %ne3A_25 = arith.cmpi ne, %rem3A_22, %ne3A_24 : vector<128x4xi32>
    %and3A = arith.andi %ne3A_21, %ne3A_25 : vector<128x4xi1>
    %sub3A = arith.constant 1 : i32
    %sub3A_26 = vector.broadcast %sub3A : i32 to vector<128x4xi32>
    %sub3A_27 = arith.subi %div3A_5, %sub3A_26 : vector<128x4xi32>
    %select_n3A = arith.select %and3A, %sub3A_27, %div3A_5 : vector<128x4xi1>, vector<128x4xi32>
    %iota3A_28 = tpu.iota {dimensions = array<i32: 1>} : vector<128x4xi32>
    %eq3A = arith.cmpi eq, %select_n3A, %iota3A_28 : vector<128x4xi32>
    %jit3A_29 = arith.constant 1.000000e+00 : f32
    %jit3A_30 = arith.constant 0.000000e+00 : f32
    %broadcast_in_dim3A = vector.broadcast %jit3A_29 : f32 to vector<128x4xf32>
    %broadcast_in_dim3A_31 = vector.broadcast %jit3A_30 : f32 to vector<128x4xf32>
    %select_n3A_32 = arith.select %eq3A, %broadcast_in_dim3A, %broadcast_in_dim3A_31 : vector<128x4xi1>, vector<128x4xf32>
    %dot_general3A = arith.constant dense<0.000000e+00> : vector<2000x4xf32>
    %dot_general3A_33 = tpu.matmul %mul3A, %select_n3A_32, %dot_general3A {dimension_numbers = #tpu.dot_dimension_numbers<[1], [0], [0], [1], [0, 0, 1, 1], [], []>, transpose_lhs_hint = false} : vector<2000x128xf32>, vector<128x4xf32>, vector<2000x4xf32> -> vector<2000x4xf32>
    %mul3A_34 = arith.constant 0.0883883461 : f32
    %mul3A_35 = vector.broadcast %mul3A_34 : f32 to vector<2000x4xf32>
    %mul3A_36 = arith.mulf %dot_general3A_33, %mul3A_35 : vector<2000x4xf32>
    %ge3A = arith.constant 0.000000e+00 : f32
    %ge3A_37 = vector.broadcast %ge3A : f32 to vector<2000x4xf32>
    %ge3A_38 = arith.cmpf oge, %mul3A_36, %ge3A_37 : vector<2000x4xf32>
    %mul3A_39 = arith.constant 2.000000e-01 : f32
    %mul3A_40 = vector.broadcast %mul3A_39 : f32 to vector<2000x4xf32>
    %mul3A_41 = arith.mulf %mul3A_40, %mul3A_36 : vector<2000x4xf32>
    %select_n3A_42 = arith.select %ge3A_38, %mul3A_36, %mul3A_41 : vector<2000x4xi1>, vector<2000x4xf32>
    %exp3A = math.exp %select_n3A_42 : vector<2000x4xf32>
    %transpose3A = tpu.transpose %select_n3A_32, [1, 0] : vector<128x4xf32> -> vector<4x128xf32>
    %dot_general3A_43 = arith.constant dense<0.000000e+00> : vector<2000x128xf32>
    %dot_general3A_44 = tpu.matmul %exp3A, %transpose3A, %dot_general3A_43 {dimension_numbers = #tpu.dot_dimension_numbers<[1], [0], [0], [1], [0, 0, 1, 1], [], []>, transpose_lhs_hint = false} : vector<2000x4xf32>, vector<4x128xf32>, vector<2000x128xf32> -> vector<2000x128xf32>
    %get3A_45 = arith.constant 0 : index
    %get3A_46 = arith.constant 0 : index
    %get3A_47 = vector.load %arg3[%get3A_45, %get3A_46] : memref<2000x128xf32, #tpu.memory_space<vmem>>, vector<2000x128xf32>
    %mul3A_48 = arith.mulf %dot_general3A_44, %get3A_47 : vector<2000x128xf32>
    %swap3A = arith.constant 0 : index
    %swap3A_49 = arith.constant 0 : index
    %swap3A_50 = vector.load %arg4[%swap3A, %swap3A_49] : memref<2000x128xf32, #tpu.memory_space<vmem>>, vector<2000x128xf32>
    tpu.vector_store %arg4[%swap3A, %swap3A_49], %mul3A_48 {strides = array<i32>} : memref<2000x128xf32, #tpu.memory_space<vmem>>, vector<2000x128xf32>,
    %swap3A_51 = arith.constant 0 : index
    %swap3A_52 = arith.constant 0 : index
    %swap3A_53 = vector.load %arg5[%swap3A_51, %swap3A_52] : memref<2000x4xf32, #tpu.memory_space<vmem>>, vector<2000x4xf32>
    tpu.vector_store %arg5[%swap3A_51, %swap3A_52], %exp3A {strides = array<i32>} : memref<2000x4xf32, #tpu.memory_space<vmem>>, vector<2000x4xf32>,
    return
  }
  func.func @transform_0(%arg0: i32) -> (i32, i32) {
    %c0_i32 = arith.constant 0 : i32
    %c0_i32_0 = arith.constant 0 : i32
    return %arg0, %c0_i32 : i32, i32
  }
  func.func @transform_1(%arg0: i32) -> (i32, i32) {
    %c0_i32 = arith.constant 0 : i32
    %c0_i32_0 = arith.constant 0 : i32
    return %arg0, %c0_i32 : i32, i32
  }
  func.func @transform_2(%arg0: i32) -> (i32, i32) {
    %c0_i32 = arith.constant 0 : i32
    %c0_i32_0 = arith.constant 0 : i32
    return %arg0, %c0_i32 : i32, i32
  }
  func.func @transform_3(%arg0: i32) -> (i32, i32) {
    %c0_i32 = arith.constant 0 : i32
    %c0_i32_0 = arith.constant 0 : i32
    return %arg0, %c0_i32 : i32, i32
  }
  func.func @transform_4(%arg0: i32) -> (i32, i32) {
    %c0_i32 = arith.constant 0 : i32
    %c0_i32_0 = arith.constant 0 : i32
    return %arg0, %c0_i32 : i32, i32
  }
}

module attributes {stable_mosaic.version = 14 : i64} {
  func.func @_div_body(%arg0: i32, %arg1: memref<2x2048x128xf32, #tpu.memory_space<vmem>>, %arg2: memref<2x2048x4xf32, #tpu.memory_space<vmem>>, %arg3: memref<2048x128xf32, #tpu.memory_space<vmem>>) attributes {dimension_semantics = [#tpu.dimension_semantics<arbitrary>], iteration_bounds = array<i64: 5>, scalar_prefetch = 0 : i64, scratch_operands = 0 : i64, tpu.core_type = #tpu.core_type<tc>, window_params = [{transform_indices = @transform_0, window_bounds = array<i64: 2, 2048, 128>}, {transform_indices = @transform_1, window_bounds = array<i64: 2, 2048, 4>}, {transform_indices = @transform_2, window_bounds = array<i64: 2048, 128>}]} {
    %get3A = arith.constant 0 : index
    %get3A_0 = arith.constant 0 : index
    %get3A_1 = arith.constant 0 : index
    %get3A_2 = vector.load %arg1[%get3A, %get3A_0, %get3A_1] : memref<2x2048x128xf32, #tpu.memory_space<vmem>>, vector<1x2048x128xf32>
    %get3A_3 = vector.shape_cast %get3A_2 : vector<1x2048x128xf32> to vector<2048x128xf32>
    %get3A_4 = arith.constant 1 : index
    %get3A_5 = arith.constant 0 : index
    %get3A_6 = arith.constant 0 : index
    %get3A_7 = vector.load %arg1[%get3A_4, %get3A_5, %get3A_6] : memref<2x2048x128xf32, #tpu.memory_space<vmem>>, vector<1x2048x128xf32>
    %get3A_8 = vector.shape_cast %get3A_7 : vector<1x2048x128xf32> to vector<2048x128xf32>
    %add3A = arith.addf %get3A_3, %get3A_8 : vector<2048x128xf32>
    %get3A_9 = arith.constant 0 : index
    %get3A_10 = arith.constant 0 : index
    %get3A_11 = arith.constant 0 : index
    %get3A_12 = vector.load %arg2[%get3A_9, %get3A_10, %get3A_11] : memref<2x2048x4xf32, #tpu.memory_space<vmem>>, vector<1x2048x4xf32>
    %get3A_13 = vector.shape_cast %get3A_12 : vector<1x2048x4xf32> to vector<2048x4xf32>
    %get3A_14 = arith.constant 1 : index
    %get3A_15 = arith.constant 0 : index
    %get3A_16 = arith.constant 0 : index
    %get3A_17 = vector.load %arg2[%get3A_14, %get3A_15, %get3A_16] : memref<2x2048x4xf32, #tpu.memory_space<vmem>>, vector<1x2048x4xf32>
    %get3A_18 = vector.shape_cast %get3A_17 : vector<1x2048x4xf32> to vector<2048x4xf32>
    %add3A_19 = arith.addf %get3A_13, %get3A_18 : vector<2048x4xf32>
    %slice3A = vector.extract_strided_slice %add3A_19 {offsets = [0, 0], sizes = [2048, 1], strides = [1, 1]} : vector<2048x4xf32> to vector<2048x1xf32>
    %gt3A = arith.constant 0.000000e+00 : f32
    %gt3A_20 = vector.broadcast %gt3A : f32 to vector<2048x1xf32>
    %gt3A_21 = arith.cmpf ogt, %slice3A, %gt3A_20 : vector<2048x1xf32>
    %jit3A = arith.constant 1.000000e+00 : f32
    %broadcast_in_dim3A = vector.broadcast %jit3A : f32 to vector<2048x1xf32>
    %select_n3A = arith.select %gt3A_21, %slice3A, %broadcast_in_dim3A : vector<2048x1xi1>, vector<2048x1xf32>
    %slice3A_22 = vector.extract_strided_slice %add3A {offsets = [0, 0], sizes = [2048, 32], strides = [1, 1]} : vector<2048x128xf32> to vector<2048x32xf32>
    %div3A = vector.broadcast %select_n3A : vector<2048x1xf32> to vector<2048x32xf32>
    %div3A_23 = arith.divf %slice3A_22, %div3A : vector<2048x32xf32>
    %slice3A_24 = vector.extract_strided_slice %add3A_19 {offsets = [0, 1], sizes = [2048, 1], strides = [1, 1]} : vector<2048x4xf32> to vector<2048x1xf32>
    %gt3A_25 = arith.constant 0.000000e+00 : f32
    %gt3A_26 = vector.broadcast %gt3A_25 : f32 to vector<2048x1xf32>
    %gt3A_27 = arith.cmpf ogt, %slice3A_24, %gt3A_26 : vector<2048x1xf32>
    %jit3A_28 = arith.constant 1.000000e+00 : f32
    %broadcast_in_dim3A_29 = vector.broadcast %jit3A_28 : f32 to vector<2048x1xf32>
    %select_n3A_30 = arith.select %gt3A_27, %slice3A_24, %broadcast_in_dim3A_29 : vector<2048x1xi1>, vector<2048x1xf32>
    %slice3A_31 = vector.extract_strided_slice %add3A {offsets = [0, 32], sizes = [2048, 32], strides = [1, 1]} : vector<2048x128xf32> to vector<2048x32xf32>
    %div3A_32 = vector.broadcast %select_n3A_30 : vector<2048x1xf32> to vector<2048x32xf32>
    %div3A_33 = arith.divf %slice3A_31, %div3A_32 : vector<2048x32xf32>
    %slice3A_34 = vector.extract_strided_slice %add3A_19 {offsets = [0, 2], sizes = [2048, 1], strides = [1, 1]} : vector<2048x4xf32> to vector<2048x1xf32>
    %gt3A_35 = arith.constant 0.000000e+00 : f32
    %gt3A_36 = vector.broadcast %gt3A_35 : f32 to vector<2048x1xf32>
    %gt3A_37 = arith.cmpf ogt, %slice3A_34, %gt3A_36 : vector<2048x1xf32>
    %jit3A_38 = arith.constant 1.000000e+00 : f32
    %broadcast_in_dim3A_39 = vector.broadcast %jit3A_38 : f32 to vector<2048x1xf32>
    %select_n3A_40 = arith.select %gt3A_37, %slice3A_34, %broadcast_in_dim3A_39 : vector<2048x1xi1>, vector<2048x1xf32>
    %slice3A_41 = vector.extract_strided_slice %add3A {offsets = [0, 64], sizes = [2048, 32], strides = [1, 1]} : vector<2048x128xf32> to vector<2048x32xf32>
    %div3A_42 = vector.broadcast %select_n3A_40 : vector<2048x1xf32> to vector<2048x32xf32>
    %div3A_43 = arith.divf %slice3A_41, %div3A_42 : vector<2048x32xf32>
    %slice3A_44 = vector.extract_strided_slice %add3A_19 {offsets = [0, 3], sizes = [2048, 1], strides = [1, 1]} : vector<2048x4xf32> to vector<2048x1xf32>
    %gt3A_45 = arith.constant 0.000000e+00 : f32
    %gt3A_46 = vector.broadcast %gt3A_45 : f32 to vector<2048x1xf32>
    %gt3A_47 = arith.cmpf ogt, %slice3A_44, %gt3A_46 : vector<2048x1xf32>
    %jit3A_48 = arith.constant 1.000000e+00 : f32
    %broadcast_in_dim3A_49 = vector.broadcast %jit3A_48 : f32 to vector<2048x1xf32>
    %select_n3A_50 = arith.select %gt3A_47, %slice3A_44, %broadcast_in_dim3A_49 : vector<2048x1xi1>, vector<2048x1xf32>
    %slice3A_51 = vector.extract_strided_slice %add3A {offsets = [0, 96], sizes = [2048, 32], strides = [1, 1]} : vector<2048x128xf32> to vector<2048x32xf32>
    %div3A_52 = vector.broadcast %select_n3A_50 : vector<2048x1xf32> to vector<2048x32xf32>
    %div3A_53 = arith.divf %slice3A_51, %div3A_52 : vector<2048x32xf32>
    %concatenate3A = tpu.concatenate %div3A_23, %div3A_33, %div3A_43, %div3A_53 in 1 : vector<2048x32xf32>, vector<2048x32xf32>, vector<2048x32xf32>, vector<2048x32xf32> -> vector<2048x128xf32>
    %swap3A = arith.constant 0 : index
    %swap3A_54 = arith.constant 0 : index
    %swap3A_55 = vector.load %arg3[%swap3A, %swap3A_54] : memref<2048x128xf32, #tpu.memory_space<vmem>>, vector<2048x128xf32>
    tpu.vector_store %arg3[%swap3A, %swap3A_54], %concatenate3A {strides = array<i32>} : memref<2048x128xf32, #tpu.memory_space<vmem>>, vector<2048x128xf32>,
    return
  }
  func.func @transform_0(%arg0: i32) -> (i32, i32, i32) {
    %c0_i32 = arith.constant 0 : i32
    %c0_i32_0 = arith.constant 0 : i32
    %c0_i32_1 = arith.constant 0 : i32
    return %c0_i32, %arg0, %c0_i32_0 : i32, i32, i32
  }
  func.func @transform_1(%arg0: i32) -> (i32, i32, i32) {
    %c0_i32 = arith.constant 0 : i32
    %c0_i32_0 = arith.constant 0 : i32
    %c0_i32_1 = arith.constant 0 : i32
    return %c0_i32, %arg0, %c0_i32_0 : i32, i32, i32
  }
  func.func @transform_2(%arg0: i32) -> (i32, i32) {
    %c0_i32 = arith.constant 0 : i32
    %c0_i32_0 = arith.constant 0 : i32
    return %arg0, %c0_i32 : i32, i32
  }
}

</mosaic_0001>

<sc_bundles>
// kernel: kernel.5.cloned.1.call-start
scs
__scs_entry_jumppad:
0x0: {  	(pc) =	sbr.rel $0x88, $3  }
0x1: {  	(tag) =	ssettag $0x0;
	lr =	simm.s32 $0x1  }
0x2: {  	[smem:$0x3F9D] =	sst lr;
	_ =	strace $0xD0000000  }
0x3: {  	_ = 	snop  }
0x4: {  	_ = 	snop  }
0x5: {  	_ = 	snop  }
0x6: {  	_ = 	snop  }
0x7: {  	_ = 	snop  }
__scs_overlays_trampoline_lowered:
0x8: {  	[smem:$0x3FAC] =	sst s0  }
0x9: {  	[smem:$0x3FAD] =	sst s1  }
0xa: {  	[smem:$0x3FAE] =	sst s2  }
0xb: {  	[smem:$0x3FAF] =	sst s3  }
0xc: {  	[smem:$0x3FB0] =	sst s4  }
0xd: {  	[smem:$0x3FB1] =	sst s5  }
0xe: {  	[smem:$0x3FB2] =	sst s6  }
0xf: {  	[smem:$0x3FB3] =	sst s7  }
0x10: {  	[smem:$0x3FB4] =	sst s8  }
0x11: {  	[smem:$0x3FB5] =	sst s9;
	s0 =	simm.s32 @!p0 $0x0  }
0x12: {  	s1 =	sld [smem:$0x3F9B];
	s0 =	simm.s32 @p0 $0x1  }
0x13: {  	[smem:$0x3FB6] =	sst s0;
	s0 =	simm.s32 @!p1 $0x0  }
0x14: {  	s2 =	sld [smem:$0x3F9A];
	s0 =	simm.s32 @p1 $0x1  }
0x15: {  	[smem:$0x3FB7] =	sst s0;
	s0 =	simm.s32 @!p2 $0x0  }
0x16: {  	s3 =	sld [smem:$0x3FDB];
	s0 =	simm.s32 @p2 $0x1  }
0x17: {  	s4 =	simm.s32 $0x1BF5;
	[smem:$0x3FB9] =	sst s0  }
0x18: {  	s0 =	sld [smem:$0x3F9C];
	_ =	swait.ge [sflag:s4], $0x0  }
0x19: {  	s7 =	sld [smem:$0x3F9D]  }
0x1a: {  	s8 =	sadd.s32 $0xFFFFE003, lr  }
0x1b: {  	s9 =	sadd.s32 $0xFFFFFEF7, lr;
	s5 =	simm.s32 $0xFFFFFFFF;
	p2 =	slt.u32 s8, $0xFFFFF086  }
0x1c: {  	p1 =	slt.u32 s9, $0xF7A;
	s5 =	simm.s32 @!p2 $0x0  }
0x1d: {  	s5 =	simm.s32 @p1 $0x1;
	p0 =	seq.s32 s7, s2  }
0x1e: {  	s7 =	smul.u32 @!p0 $0xF7A, s2;
	p2 =	seq.s32 @!p0 s5, $0x0  }
0x1f: {  	s9 =	smul.u32 $0xF7A, s1;
	s8 =	simm.s32 @!p0 $0x1BF5;
	p2 =	por !p2, p0  }
0x20: {  	[sflag:s8] =	ssyncset.s32 @!p0 $0xFFFFF086;
	s6 =	sadd.s32 @!p0 s3, s7;
	s7 =	simm.s32 @!p0 $0x108  }
0x21: {  	s3 =	sadd.s32 s3, s9;
	s6 =	sadd.s32 @!p0 $0x88, s6;
	s7 =	simm.s32 @p2 $0x1082  }
0x22: {  	[simem:s7], [sflag:s8] =	dma.local @!p0 [hbm:s6], $0xF7A  }
0x23: {  	s9 =	sor.u32 $0xD0000000, s2;
	s6 =	simm.s32 $0x108;
	_ =	swait.ge @!p0 [sflag:s8], $0x0  }
0x24: {  	s3 =	sadd.s32 $0x88, s3;
	s6 =	simm.s32 @!p1 $0x1082;
	[sflag:s4] =	ssyncset.s32 $0xFFFFF086  }
0x25: {  	[simem:s6], [sflag:s4] =	dma.local [hbm:s3], $0xF7A  }
0x26: {  	[smem:$0x3F9D] =	sst s1;
	(tag) =	ssettag s2;
	_ =	strace s9  }
0x27: {  	s1 =	sld [smem:$0x3FAD]  }
0x28: {  	s2 =	sld [smem:$0x3FAE]  }
0x29: {  	s4 =	sld [smem:$0x3FB0]  }
0x2a: {  	p0 =	seq.s32 s5, $0x0;
	s5 =	sld [smem:$0x3FB1]  }
0x2b: {  	s6 =	sld [smem:$0x3FB2]  }
0x2c: {  	s7 =	sld [smem:$0x3FB3]  }
0x2d: {  	s3 =	simm.s32 $0x108;
	s8 =	sld [smem:$0x3FB4]  }
0x2e: {  	s3 =	simm.s32 @!p0 $0x1082;
	s9 =	sld [smem:$0x3FB5]  }
0x2f: {  	lr =	sadd.s32 s0, s3;
	s0 =	sld [smem:$0x3FAC]  }
0x30: {  	s3 =	sld [smem:$0x3FAF]  }
0x31: {  	[smem:$0x3FB8] =	sst s10  }
0x32: {  	s10 =	sld [smem:$0x3FB6];
	_ =	sdelay $0x3  }
0x33: {  	p0 =	seq.s32 s10, $0x1;
	s10 =	sld [smem:$0x3FB8];
	_ =	sdelay $0x3  }
0x34: {  	[smem:$0x3FB8] =	sst s10  }
0x35: {  	s10 =	sld [smem:$0x3FB7];
	_ =	sdelay $0x3  }
0x36: {  	p1 =	seq.s32 s10, $0x1;
	s10 =	sld [smem:$0x3FB8];
	_ =	sdelay $0x3  }
0x37: {  	[smem:$0x3FB8] =	sst s10  }
0x38: {  	s10 =	sld [smem:$0x3FB9]  }
0x39: {  	_ = 	snop;
	(pc) =	sbr.ind lr, $3  }
0x3a: {  	_ = 	snop  }
0x3b: {  	_ = 	snop  }
0x3c: {  	p2 =	seq.s32 s10, $0x1;
	s10 =	sld [smem:$0x3FB8]  }
0x3d: {  	_ =	shalt  }
0x3e: {  	_ =	shalt  }
0x3f: {  	_ =	shalt  }
0x40: {  	_ =	shalt  }
0x41: {  	_ =	shalt  }
0x42: {  	_ =	shalt  }
0x43: {  	_ =	shalt  }
0x44: {  	_ =	shalt  }
0x45: {  	_ =	shalt  }
0x46: {  	_ =	shalt  }
0x47: {  	_ =	shalt  }
0x48: {  	_ =	shalt  }
0x49: {  	_ =	shalt  }
0x4a: {  	_ =	shalt  }
0x4b: {  	_ =	shalt  }
0x4c: {  	_ =	shalt  }
0x4d: {  	_ =	shalt  }
0x4e: {  	_ =	shalt  }
0x4f: {  	_ =	shalt  }
0x50: {  	_ =	shalt  }
0x51: {  	_ =	shalt  }
0x52: {  	_ =	shalt  }
0x53: {  	_ =	shalt  }
0x54: {  	_ =	shalt  }
0x55: {  	_ =	shalt  }
0x56: {  	_ =	shalt  }
0x57: {  	_ =	shalt  }
0x58: {  	_ =	shalt  }
0x59: {  	_ =	shalt  }
0x5a: {  	_ =	shalt  }
0x5b: {  	_ =	shalt  }
0x5c: {  	_ =	shalt  }
0x5d: {  	_ =	shalt  }
0x5e: {  	_ =	shalt  }
0x5f: {  	_ =	shalt  }
0x60: {  	_ =	shalt  }
0x61: {  	_ =	shalt  }
0x62: {  	_ =	shalt  }
0x63: {  	_ =	shalt  }
0x64: {  	_ =	shalt  }
0x65: {  	_ =	shalt  }
0x66: {  	_ =	shalt  }
0x67: {  	_ =	shalt  }
0x68: {  	_ =	shalt  }
0x69: {  	_ =	shalt  }
0x6a: {  	_ =	shalt  }
0x6b: {  	_ =	shalt  }
0x6c: {  	_ =	shalt  }
0x6d: {  	_ =	shalt  }
0x6e: {  	_ =	shalt  }
0x6f: {  	_ =	shalt  }
0x70: {  	_ =	shalt  }
0x71: {  	_ =	shalt  }
0x72: {  	_ =	shalt  }
0x73: {  	_ =	shalt  }
0x74: {  	_ =	shalt  }
0x75: {  	_ =	shalt  }
0x76: {  	_ =	shalt  }
0x77: {  	_ =	shalt  }
0x78: {  	_ =	shalt  }
0x79: {  	_ =	shalt  }
0x7a: {  	_ =	shalt  }
0x7b: {  	_ =	shalt  }
0x7c: {  	_ =	shalt  }
0x7d: {  	_ =	shalt  }
0x7e: {  	_ =	shalt  }
0x7f: {  	_ =	shalt  }
0x80: {  	_ =	shalt  }
0x81: {  	_ =	shalt  }
0x82: {  	_ =	shalt  }
0x83: {  	_ =	shalt  }
0x84: {  	_ =	shalt  }
0x85: {  	_ =	shalt  }
0x86: {  	_ =	shalt  }
0x87: {  	_ =	shalt  }
.Lfunc_end0:
.L_simem_size_0:
called_computation_lowered:
.L_overlay_start_0:
0x88: {  	s2 =	sld [smem:$0x3FD9]  }
0x89: {  	s3 =	sld [smem:$0x3FFE];
	_ =	sdelay $0x1  }
0x8a: {  	s1 =	srdreg.scid  }
0x8b: {  	s0 =	sand.u32 $0x1, s1  }
0x8c: {  	s17 =	sshll.u32 s0, $0xA;
	s2 =	sadd.s32 s3, s2  }
0x8d: {  	s2 =	sadd.s32 s2, s17  }
0x8e: {  	[smem:$0x3FC4] =	sst s2  }
0x8f: {  	_ = 	snop  }
0x90: {  	s2 =	sld [smem:$0x3FD0];
	(tm) =	ssettm $0x1  }
0x91: {  	s18 =	sld [smem:$0x3FFB];
	_ =	sdelay $0x3  }
0x92: {  	_ =	strace s18  }
0x93: {  	s3 =	sld [smem:$0x3FFC];
	_ =	sdelay $0x3  }
0x94: {  	_ =	strace s3  }
0x95: {  	s3 =	sld [smem:$0x3FFD];
	_ =	sdelay $0x3  }
0x96: {  	_ =	strace s3  }
0x97: {  	_ =	strace $0x8FFFFFFF  }
0x98: {  	s19 =	sld [smem:$0x3FDB];
	_ =	sdelay $0x1  }
0x99: {  	s4 =	simm.s32 $_scs_section_size  }
0x9a: {  	s5 =	simm.s32 $_size__tile_overlayer_lowered;
	s6 =	simm.s32 $_tile_overlayer_lowered  }
0x9b: {  	s22 =	simm.s32 $0x1BFF;
	s21 =	sshll.u32 s6, $0x1;
	s3 =	sadd.s32 s4, s19  }
0x9c: {  	s7 =	simm.s32 $0x0;
	s20 =	sshll.u32 s5, $0x1;
	s5 =	sadd.s32 s21, s3  }
0x9d: {  	[timem:s7], [sflag:s22] =	dma.local [hbm:s5], s20  }
0x9e: {  	_ =	swait.ge [sflag:s22], s20  }
0x9f: {  	s4 =	ssub.s32 $0x0, s20;
	[sflag:s22] =	ssyncset.done $0x0  }
0xa0: {  	[sflag:s22] =	ssyncadd.s32 s4;
	_ =	sdelay $0x1  }
0xa1: {  	s23 =	simm.s32 $0x1B8B  }
0xa2: {  	_ =	swait.ge [sflag:s23], $0x1  }
0xa3: {  	[sflag:s23] =	ssyncset.done $0x0  }
0xa4: {  	s25 =	simm.s32 $0x1B8E;
	s24 =	sld [smem:$0x3FFE];
	[sflag:s23] =	ssyncadd.s32 $0xFFFFFFFF  }
0xa5: {  	s26 =	simm.s32 $execute0_lowered;
	[smem:$0x3FD2] =	sst s25  }
0xa6: {  	s5 =	sshll.u32 s26, $0x1;
	_ =	strace $0x80000046;
	[dreg:$0x1] =	wrdreg $0xFFFFFFFF  }
0xa7: {  	s28 =	simm.s32 $_size_execute0_lowered;
	s3 =	sadd.s32 s3, s5;
	[dreg:$0x0] =	wrdreg $0x0  }
0xa8: {  	s5 =	sshll.u32 s28, $0x1;
	[dreg:$0x2] =	wrdreg s3  }
0xa9: {  	[dreg:$0x3] =	wrdreg s5  }
0xaa: {  	[dreg:$0x4] =	wrdreg $0xC0  }
0xab: {  	_ =	task [dreg:s7], $0x5FFFF  }
0xac: {  	[dreg:$0x1] =	wrdreg $0xFFFFFFFF  }
0xad: {  	[dreg:$0x0] =	wrdreg $0x60  }
0xae: {  	[dreg:$0x2] =	wrdreg s24  }
0xaf: {  	[dreg:$0x3] =	wrdreg s2  }
0xb0: {  	[dreg:$0x4] =	wrdreg $0x44800  }
0xb1: {  	[dreg:$0x5] =	wrdreg $0x184800  }
0xb2: {  	[dreg:$0x6] =	wrdreg $0x9  }
0xb3: {  	_ =	task.clear_ibuf [dreg:s7], $0x7FFFF;
	_ =	strace $0x90000046  }
0xb4: {  	s29 =	simm.s32 $0x9;
	_ =	strace $0x80000048  }
0xb5: {  	_ =	swait.ge [sflag:s29], $0x1  }
0xb6: {  	[sflag:s29] =	ssyncadd.s32 $0xFFFFFFFF  }
0xb7: {  	_ =	strace $0x90000048  }
0xb8: {  	_ =	sfence  }
0xb9: {  	s30 =	sld [smem:$0x0];
	_ =	sdelay $0x2  }
0xba: {  	s31 =	sshll.u32 s1, $0xD;
	s1 =	sshrl.u32 s1, $0x2  }
0xbb: {  	s3 =	sand.u32 $0x4000, s31;
	s1 =	sadd.s32 s1, s30  }
0xbc: {  	s0 =	sor.u32 s3, s0;
	s1 =	sshll.u32 s1, $0x11  }
0xbd: {  	s0 =	sor.u32 s1, s0  }
0xbe: {  	s0 =	sadd.s32 $0x8F2B, s0  }
0xbf: {  	[sflag:s0] =	ssyncadd.remote.s32 $0x1  }
0xc0: {  	_ =	sfence.sel $0xFFFF  }
0xc1: {  	[dreg:$0x0] =	wrdreg $0xFFFFFFFF;
	(pc) =	sbr.abs _section_cstart, $3  }
0xc2: {  	[dreg:$0x1] =	wrdreg $0xFFFFFFFF  }
0xc3: {  	_ =	task.clear_ibuf [dreg:s7], $0x2FFFF;
	_ =	strace $0x9FFFFFFF  }
0xc4: {  	(tm) =	ssettm $0x7FFFFFFF  }
0xc5: {  	_ =	shalt  }
tec
execute0_lowered:
.L_overlay_start_1:
0x0: {  	(tag) =	ssettag $0x1  }
0x1: {  	s0 =	rddreg [dreg:$0x0]  }
0x2: {  	s4 =	rddreg [dreg:$0x1]  }
0x3: {  	s1 =	rddreg [dreg:$0x2];
	s17 =	stileid.u32  }
0x4: {  	s3 =	srdreg.scid;
	s8 =	smul.u32 $0x14000, s17  }
0x5: {  	s2 =	rddreg [dreg:$0x3];
	s28 =	simm.s32 $0x4100;
	s10 =	smul.u32 $0xA00, s17  }
0x6: {  	s29 =	simm.s32 $0x4380;
	s5 =	sand.u32 $0x1, s3;
	s19 =	smul.u32 $0x50000, s17  }
0x7: {  	s30 =	simm.s32 $0x4180;
	s3 =	simm.s32 $0x0;
	s6 =	smul.u32 $0x271000, s5  }
0x8: {  	s21 =	sshll.u32 s17, $0x6;
	s22 =	ssub.s32 $0x4F1, s17;
	s9 =	smul.u32 $0x13880, s5  }
0x9: {  	s25 =	sshll.u32 s17, $0x4;
	s26 =	sshll.u32 s17, $0xB;
	s7 =	smul.u32 $0x4E20, s5  }
0xa: {  	[smem:$0x7FF] =	sst s3;
	s16 =	smul.u32 $0x140000, s5;
	s18 =	sshll.u32 s5, $0x7  }
0xb: {  	s5 =	ssub.s32 $0x2, s5;
	_ =	strace $0x80000047;
	s15 =	sshrl.u32 s8, $0x3  }
0xc: {  	s14 =	sshrl.u32 s10, $0x3;
	s20 =	sshrl.u32 s5, $0x1;
	s12 =	sadd.s32 s6, s0  }
0xd: {  	s11 =	sadd.s32 s9, s0;
	s13 =	sadd.s32 s7, s0;
	s6 =	sadd.s32 s15, s0  }
0xe: {  	s15 =	smul.u32 $0x1400, s17;
	s14 =	sadd.s32 s14, s0;
	s7 =	sadd.s32 s8, s16  }
0xf: {  	s5 =	ssub.s32 s5, s20;
	s4 =	sadd.s32 s9, s4;
	s17 =	simm.s32 $0x2  }
0x10: {  	s20 =	simm.s32 $0x4000;
	s7 =	sshrl.u32 s7, $0x3;
	s6 =	sadd.s32 $0x31600, s6  }
0x11: {  	s23 =	sadd.s32 $0x59600, s14;
	s24 =	sadd.s32 s21, s11;
	s11 =	smax.u32 s5, $0x1  }
0x12: {  	s9 =	sadd.s32 s21, s4;
	s31 =	sadd.s32 s26, s12;
	s26 =	simm.s32 $0x4300  }
0x13: {  	s4 =	simm.s32 $0x0;
	s8 =	sor.u32 s18, s15;
	s7 =	sadd.s32 s7, s0  }
0x14: {  	s15 =	sshrl.u32 s19, $0x2;
	[dreg:$0x5] =	wrdreg s6;
	s6 =	sor.u32 $0x1C02, s21  }
0x15: {  	s18 =	sadd.s32 s10, s2;
	[dreg:$0x6] =	wrdreg s23;
	s19 =	simm.s32 $0x4400  }
0x16: {  	s21 =	simm.s32 $0x4200;
	s23 =	simm.s32 $0x1;
	s8 =	sshrl.u32 s8, $0x3  }
0x17: {  	s16 =	sadd.s32 s15, s1;
	s7 =	sadd.s32 $0x5D200, s7;
	s15 =	sadd.s32 $0x4E2600, s31  }
0x18: {  	s18 =	sshrl.u32 s18, $0x3;
	s0 =	sadd.s32 s8, s0;
	s8 =	sshrl.u32 s22, $0x4  }
0x19: {  	[dreg:$0x7] =	wrdreg s7;
	s7 =	sadd.s32 $0xA400, s24;
	s16 =	sshrl.u32 s16, $0x3  }
0x1a: {  	s22 =	simm.s32 $0x80;
	s10 =	sadd.s32 $0x5AA00, s0;
	s0 =	sadd.s32 s25, s13  }
0x1b: {  	s24 =	simm.s32 $0x4280;
	s25 =	simm.s32 $0x4080;
	s14 =	sadd.s32 $0x600, s0  }
.LBB2_1:
0x1c: {  	s0 =	rddreg [dreg:$0x5]  }
0x1d: {  	[spmem:s16], [sflag:s6] =	dma.local [hbm:s0], $0x2800  }
0x1e: {  	_ =	swait.ge [sflag:s17], $0x2800  }
0x1f: {  	[sflag:s17] =	ssyncset.done $0x0  }
0x20: {  	s13 =	rddreg [dreg:$0x6];
	[sflag:s17] =	ssyncadd.s32 $0xFFFFD800  }
0x21: {  	[spmem:s18], [sflag:s6] =	dma.local [hbm:s13], $0x140  }
0x22: {  	_ =	swait.ge [sflag:s17], $0x140  }
0x23: {  	[sflag:s17] =	ssyncset.done $0x0  }
0x24: {  	[sflag:s17] =	ssyncadd.s32 $0xFFFFFEC0  }
0x25: {  	[bflag:$0x0] =	sbarrier.arrive $0xFFFF  }
0x26: {  	[tilespmem:s3], [sflag:$0x2] =	stream.linear.gather [hbm4b:s15+s3], $0x4000, $0x38;
	[tilespmem:$0x18E80] =	vst v63  }
0x27: {  	_ =	swait.ge [sflag:s17], $0x4000  }
0x28: {  	[sflag:s17] =	ssyncset.done $0x0  }
0x29: {  	[sflag:s17] =	ssyncadd.s32 $0xFFFFC000  }
0x2a: {  	[tilespmem:s19], [sflag:$0x2] =	stream.linear.gather [hbm4b:s14+s3], $0x80, $0x38;
	[tilespmem:$0x18E80] =	vst v63  }
0x2b: {  	_ =	swait.ge [sflag:s17], $0x80  }
0x2c: {  	[sflag:s17] =	ssyncset.done $0x0  }
0x2d: {  	[sflag:s17] =	ssyncadd.s32 $0xFFFFFF80  }
0x2e: {  	[tilespmem:s20], [sflag:$0x2] =	stream.linear.gather [hbm4b:s9+s3], $0x200, $0x38;
	[tilespmem:$0x18E80] =	vst v63  }
0x2f: {  	_ =	swait.ge [sflag:s17], $0x200  }
0x30: {  	[sflag:s17] =	ssyncset.done $0x0  }
0x31: {  	[sflag:s17] =	ssyncadd.s32 $0xFFFFFE00  }
0x32: {  	[tilespmem:s21], [sflag:$0x2] =	stream.linear.gather [hbm4b:s7+s3], $0x200, $0x38;
	[tilespmem:$0x18E80] =	vst v63  }
0x33: {  	_ =	swait.ge [sflag:s17], $0x200  }
0x34: {  	[sflag:s17] =	ssyncset.done $0x0  }
0x35: {  	[sflag:s17] =	ssyncadd.s32 $0xFFFFFE00  }
0x36: {  	[spmem:s1] =	stream.indirect.scatter.add.f32 [tilespmem:s3], [sflag:$0x1], $0x80, s19, s22, $0xb8;
	[tilespmem:$0x18E80] =	vst v63  }
0x37: {  	_ =	swait.ge [sflag:s23], $0x4000  }
0x38: {  	[sflag:s23] =	ssyncset.done $0x0  }
0x39: {  	[sflag:s23] =	ssyncadd.s32 $0xFFFFC000  }
0x3a: {  	[spmem:s2] =	stream.indirect.scatter.add.f32 [tilespmem:s20], [sflag:$0x1], $0x1, s21, s22, $0xb8;
	[tilespmem:$0x18E80] =	vst v63  }
0x3b: {  	_ =	swait.ge [sflag:s23], $0x80  }
0x3c: {  	[sflag:s23] =	ssyncset.done $0x0  }
0x3d: {  	[sflag:s23] =	ssyncadd.s32 $0xFFFFFF80  }
0x3e: {  	[spmem:s2] =	stream.indirect.scatter.add.f32 [tilespmem:s25], [sflag:$0x1], $0x1, s24, s22, $0xb8;
	[tilespmem:$0x18E80] =	vst v63  }
0x3f: {  	_ =	swait.ge [sflag:s23], $0x80  }
0x40: {  	[sflag:s23] =	ssyncset.done $0x0  }
0x41: {  	[sflag:s23] =	ssyncadd.s32 $0xFFFFFF80  }
0x42: {  	[spmem:s2] =	stream.indirect.scatter.add.f32 [tilespmem:s28], [sflag:$0x1], $0x1, s26, s22, $0xb8;
	[tilespmem:$0x18E80] =	vst v63  }
0x43: {  	p0 =	sne.s32 s8, $0x1;
	_ =	swait.ge [sflag:s23], $0x80  }
.Ltmp0:
0x44: {  	[sflag:s23] =	ssyncset.done $0x0;
	(pc) =	sbr.rel @!p0 .LBB2_3-.Ltmp0, $4  }
0x45: {  	s31 =	sadd.s32 $0xFFFFFFFF, s8;
	[sflag:s23] =	ssyncadd.s32 $0xFFFFFF80  }
0x46: {  	[spmem:s2] =	stream.indirect.scatter.add.f32 [tilespmem:s30], [sflag:$0x1], $0x1, s29, s22, $0xb8;
	[tilespmem:$0x18E80] =	vst v63  }
0x47: {  	s5 =	sadd.s32 $0x8000, s15;
	s12 =	smov.u32 s7;
	_ =	swait.ge [sflag:s23], $0x80  }
0x48: {  	s0 =	sadd.s32 $0x100, s14;
	s13 =	smov.u32 s9;
	[sflag:s23] =	ssyncset.done $0x0  }
.LBB2_2:
0x49: {  	[sflag:s23] =	ssyncadd.s32 $0xFFFFFF80;
	s12 =	sadd.s32 $0x400, s12;
	s13 =	sadd.s32 $0x400, s13  }
0x4a: {  	[tilespmem:s3], [sflag:$0x2] =	stream.linear.gather [hbm4b:s5+s3], $0x4000, $0x38;
	[tilespmem:$0x18E80] =	vst v63  }
0x4b: {  	p0 =	sne.s32 s31, $0x1;
	s31 =	sadd.s32 $0xFFFFFFFF, s31;
	_ =	swait.ge [sflag:s17], $0x4000  }
0x4c: {  	[sflag:s17] =	ssyncset.done $0x0  }
0x4d: {  	[sflag:s17] =	ssyncadd.s32 $0xFFFFC000  }
0x4e: {  	[tilespmem:s19], [sflag:$0x2] =	stream.linear.gather [hbm4b:s0+s3], $0x80, $0x38;
	[tilespmem:$0x18E80] =	vst v63  }
0x4f: {  	_ =	swait.ge [sflag:s17], $0x80  }
0x50: {  	[sflag:s17] =	ssyncset.done $0x0  }
0x51: {  	[sflag:s17] =	ssyncadd.s32 $0xFFFFFF80  }
0x52: {  	[tilespmem:s20], [sflag:$0x2] =	stream.linear.gather [hbm4b:s13+s3], $0x200, $0x38;
	[tilespmem:$0x18E80] =	vst v63  }
0x53: {  	_ =	swait.ge [sflag:s17], $0x200  }
0x54: {  	[sflag:s17] =	ssyncset.done $0x0  }
0x55: {  	[sflag:s17] =	ssyncadd.s32 $0xFFFFFE00  }
0x56: {  	[tilespmem:s21], [sflag:$0x2] =	stream.linear.gather [hbm4b:s12+s3], $0x200, $0x38;
	[tilespmem:$0x18E80] =	vst v63  }
0x57: {  	_ =	swait.ge [sflag:s17], $0x200  }
0x58: {  	[sflag:s17] =	ssyncset.done $0x0  }
0x59: {  	[sflag:s17] =	ssyncadd.s32 $0xFFFFFE00  }
0x5a: {  	[spmem:s1] =	stream.indirect.scatter.add.f32 [tilespmem:s3], [sflag:$0x1], $0x80, s19, s22, $0xb8;
	[tilespmem:$0x18E80] =	vst v63  }
0x5b: {  	_ =	swait.ge [sflag:s23], $0x4000  }
0x5c: {  	[sflag:s23] =	ssyncset.done $0x0  }
0x5d: {  	[sflag:s23] =	ssyncadd.s32 $0xFFFFC000  }
0x5e: {  	[spmem:s2] =	stream.indirect.scatter.add.f32 [tilespmem:s20], [sflag:$0x1], $0x1, s21, s22, $0xb8;
	[tilespmem:$0x18E80] =	vst v63  }
0x5f: {  	_ =	swait.ge [sflag:s23], $0x80  }
0x60: {  	[sflag:s23] =	ssyncset.done $0x0  }
0x61: {  	[sflag:s23] =	ssyncadd.s32 $0xFFFFFF80  }
0x62: {  	[spmem:s2] =	stream.indirect.scatter.add.f32 [tilespmem:s25], [sflag:$0x1], $0x1, s24, s22, $0xb8;
	[tilespmem:$0x18E80] =	vst v63  }
0x63: {  	_ =	swait.ge [sflag:s23], $0x80  }
0x64: {  	[sflag:s23] =	ssyncset.done $0x0  }
0x65: {  	[sflag:s23] =	ssyncadd.s32 $0xFFFFFF80  }
0x66: {  	[spmem:s2] =	stream.indirect.scatter.add.f32 [tilespmem:s28], [sflag:$0x1], $0x1, s26, s22, $0xb8;
	[tilespmem:$0x18E80] =	vst v63  }
0x67: {  	_ =	swait.ge [sflag:s23], $0x80  }
.Ltmp1:
0x68: {  	[sflag:s23] =	ssyncset.done $0x0;
	(pc) =	sbr.rel @p0 .LBB2_2-.Ltmp1, $4  }
0x69: {  	[sflag:s23] =	ssyncadd.s32 $0xFFFFFF80  }
0x6a: {  	[spmem:s2] =	stream.indirect.scatter.add.f32 [tilespmem:s30], [sflag:$0x1], $0x1, s29, s22, $0xb8;
	[tilespmem:$0x18E80] =	vst v63  }
0x6b: {  	_ =	swait.ge [sflag:s23], $0x80  }
0x6c: {  	s5 =	sadd.s32 $0x8000, s5;
	s0 =	sadd.s32 $0x100, s0;
	[sflag:s23] =	ssyncset.done $0x0  }
.LBB2_3:
0x6d: {  	[sflag:s23] =	ssyncadd.s32 $0xFFFFFF80  }
0x6e: {  	[bflag:$0x0] =	sbarrier.arrive $0xFFFF  }
0x6f: {  	s0 =	rddreg [dreg:$0x7]  }
0x70: {  	[hbm:s0], [sflag:s6] =	dma.local [spmem:s16], $0x2800  }
0x71: {  	s4 =	sadd.s32 $0x1, s4;
	_ =	swait.ge [sflag:s17], $0x2800  }
0x72: {  	s31 =	simm.s32 $0x20;
	p0 =	sne.s32 s4, s11;
	[sflag:s17] =	ssyncset.done $0x0  }
.Ltmp2:
0x73: {  	s5 =	simm.s32 $0x10;
	[sflag:s17] =	ssyncadd.s32 $0xFFFFD800;
	(pc) =	sbr.rel @p0 .LBB2_1-.Ltmp2, $4  }
0x74: {  	[hbm:s10@s31], [sflag:s6] =	dma.strided [spmem:s18@s5], $0x140, s23, $0x10   }
0x75: {  	_ =	swait.ge [sflag:s17], $0x140  }
0x76: {  	[sflag:s17] =	ssyncset.done $0x0  }
0x77: {  	[sflag:s17] =	ssyncadd.s32 $0xFFFFFEC0  }
0x78: {  	_ =	sfence.sel $0x180000  }
0x79: {  	[bflag:$0x0] =	sbarrier.arrive $0xFFFF  }
0x7a: {  	_ =	strace $0x90000047  }
0x7b: {  	s0 =	stileid.u32;
	[bflag:$0x2] =	sbarrier.arrive $0xFFFF  }
0x7c: {  	p0 =	sne.s32 s0, $0x0;
	s0 =	rddreg [dreg:$0x4]  }
0x7d: {  	s0 =	sadd.s32 @!p0 $0x100000, s0  }
0x7e: {  	[sflag:s0] =	ssyncadd.tile.s32 @!p0 $0x1;
	_ =	shalt  }
.Lfunc_end2:
_tile_overlayer_lowered:
.L_overlay_start_2:
0x7f: {  	(tag) =	ssettag $0x2  }
0x80: {  	s0 =	rddreg [dreg:$0x0];
	s2 =	stileid.u32  }
0x81: {  	s1 =	rddreg [dreg:$0x1];
	p0 =	sne.s32 s2, $0x0  }
0x82: {  	s3 =	rddreg [dreg:$0x2];
	[bflag:$0x3] =	sbarrier.arrive $0xFFFF;
	s2 =	simm.s32 @!p0 $0x1C02  }
0x83: {  	[timem:s3], [sflag:s2] =	dma.local @!p0 [hbm:s0], s1  }
0x84: {  	s0 =	simm.s32 @!p0 $0x2  }
0x85: {  	_ =	swait.ge @!p0 [sflag:s0], s1  }
0x86: {  	s1 =	ssub.s32 @!p0 $0x0, s1;
	[sflag:s0] =	ssyncset.done @!p0 $0x0  }
0x87: {  	[sflag:s0] =	ssyncadd.s32 @!p0 s1  }
0x88: {  	[bflag:$0x3] =	sbarrier.arrive $0xFFFF  }
0x89: {  	_ =	shalt  }

</sc_bundles>
